<compile_context>
chip_gen: v7x
topology: tpu7x:2x2x1
jax: 0.10.2.dev20260603
libtpu: 0.0.44.dev20260713+nightly
codegen_flags: <defaults>
</compile_context>

<pallas_src>
import functools

import jax
import jax.numpy as jnp
from jax import lax
from jax.experimental import pallas as pl
from jax.experimental.pallas import tpu as pltpu
from jax.experimental.pallas import tpu_sc as plsc

_ZERO_WEIGHTING = 0.5
_NONZERO_WEIGHTING = 1.0

_NC, _NS, _L = 2, 16, 16
_NW = _NC * _NS
_PLANES, _H, _W = 384, 224, 224
_SC_PLANES = 64
_TC_PLANES = _PLANES - _SC_PLANES
_TC_BLOCK = 16
_PPW = _SC_PLANES // _NW
_HH = _H // 2
_CHUNKS = _PPW * 2
_GROUPS = _W // _L


def _sc_body(rec_hbm, tgt_hbm, out_hbm, rec_v, tgt_v, acc_v, sem_r, sem_t):
    wid = lax.axis_index("s") * _NC + lax.axis_index("c")
    base = wid * _PPW

    def rec_copy(c, buf):
        plane = base + c // 2
        r0 = (c % 2) * _HH
        return pltpu.make_async_copy(
            rec_hbm.at[plane, pl.ds(r0, _HH), :], rec_v.at[buf], sem_r.at[buf]
        )

    def tgt_copy(c, buf):
        plane = base + c // 2
        r0 = (c % 2) * _HH
        return pltpu.make_async_copy(
            tgt_hbm.at[plane, pl.ds(r0, _HH), :], tgt_v.at[buf], sem_t.at[buf]
        )

    def start(c, buf):
        rec_copy(c, buf).start()
        tgt_copy(c, buf).start()

    def wait(c, buf):
        rec_copy(c, buf).wait()
        tgt_copy(c, buf).wait()

    def compute(buf, carry):
        def row_body(row, cr):
            ssq, sab, cnt = cr
            for g in range(_GROUPS):
                rr = rec_v[buf, row, pl.ds(g * _L, _L)]
                tt = tgt_v[buf, row, pl.ds(g * _L, _L)]
                z = tt == 0.0
                d = rr - tt
                ssq = ssq + jnp.where(z, d * d, 0.0)
                sab = sab + jnp.where(z, 0.0, jnp.abs(d))
                cnt = cnt + jnp.where(z, 1.0, 0.0)
            return ssq, sab, cnt

        return lax.fori_loop(0, _HH, row_body, carry)

    start(0, 0)
    start(1, 1)
    zeros = jnp.zeros((_L,), jnp.float32)
    carry0 = (zeros, zeros, zeros)

    def pair_body(k, carry):
        c0 = 2 * k
        wait(c0, 0)

        @pl.when(c0 + 2 < _CHUNKS)
        def _():
            start(c0 + 2, 0)

        carry = compute(0, carry)
        c1 = c0 + 1
        wait(c1, 1)

        @pl.when(c1 + 2 < _CHUNKS)
        def _():
            start(c1 + 2, 1)

        carry = compute(1, carry)
        return carry

    ssq, sab, cnt = lax.fori_loop(0, _CHUNKS // 2, pair_body, carry0)
    acc_v[0, :] = ssq
    acc_v[1, :] = sab
    acc_v[2, :] = cnt
    pltpu.sync_copy(acc_v, out_hbm.at[wid])


_sc_loss = functools.partial(
    pl.kernel,
    out_type=jax.ShapeDtypeStruct((_NW, 3, _L), jnp.float32),
    mesh=plsc.VectorSubcoreMesh(
        core_axis_name="c", subcore_axis_name="s", num_cores=_NC, num_subcores=_NS
    ),
    scratch_types=[
        pltpu.VMEM((2, _HH, _W), jnp.float32),
        pltpu.VMEM((2, _HH, _W), jnp.float32),
        pltpu.VMEM((3, _L), jnp.float32),
        pltpu.SemaphoreType.DMA((2,)),
        pltpu.SemaphoreType.DMA((2,)),
    ],
)(_sc_body)


def _tc_body(rec_ref, tgt_ref, out_ref, acc_ref):
    i = pl.program_id(0)
    n = pl.num_programs(0)

    t = tgt_ref[...]
    r = rec_ref[...]
    zero = t == 0.0
    d = r - t
    ssq = jnp.sum(jnp.where(zero, d * d, 0.0))
    sab = jnp.sum(jnp.where(zero, 0.0, jnp.abs(d)))
    nz = jnp.sum(zero.astype(jnp.float32))

    @pl.when(i == 0)
    def _init():
        acc_ref[0] = 0.0
        acc_ref[1] = 0.0
        acc_ref[2] = 0.0

    acc_ref[0] += ssq
    acc_ref[1] += sab
    acc_ref[2] += nz

    @pl.when(i == n - 1)
    def _finish():
        out_ref[0] = acc_ref[0]
        out_ref[1] = acc_ref[1]
        out_ref[2] = acc_ref[2]


def _tc_partials(rec, tgt):
    grid = _TC_PLANES // _TC_BLOCK
    off = _SC_PLANES // _TC_BLOCK
    return pl.pallas_call(
        _tc_body,
        grid=(grid,),
        in_specs=[
            pl.BlockSpec((_TC_BLOCK, _H, _W), lambda i: (i + off, 0, 0)),
            pl.BlockSpec((_TC_BLOCK, _H, _W), lambda i: (i + off, 0, 0)),
        ],
        out_specs=pl.BlockSpec(memory_space=pltpu.SMEM),
        out_shape=jax.ShapeDtypeStruct((3,), jnp.float32),
        scratch_shapes=[pltpu.SMEM((3,), jnp.float32)],
    )(rec, tgt)


def kernel(reconstructed_image, target_image):
    total_n = float(reconstructed_image.size)
    rec = reconstructed_image.reshape(_PLANES, _H, _W)
    tgt = target_image.reshape(_PLANES, _H, _W)

    sc_partials = _sc_loss(rec, tgt)
    tc_partials = _tc_partials(rec, tgt)

    ssq = jnp.sum(sc_partials[:, 0, :]) + tc_partials[0]
    sab = jnp.sum(sc_partials[:, 1, :]) + tc_partials[1]
    n_zero = jnp.sum(sc_partials[:, 2, :]) + tc_partials[2]
    n_nonzero = total_n - n_zero
    zero_loss = jnp.where(n_zero > 0, ssq / jnp.maximum(n_zero, 1.0), 0.0)
    nonzero_loss = jnp.where(n_nonzero > 0, sab / jnp.maximum(n_nonzero, 1.0), 0.0)
    return _ZERO_WEIGHTING * zero_loss + _NONZERO_WEIGHTING * nonzero_loss

# --- scband reference (transcript-rebuilt; emitter-appended) ---
"""Pipeline reference for scband-ada-weighted-custom-split-loss-37864431681546 (READ-ONLY COPY).

The authoritative reference and input builder live on the scoring server;
editing this copy changes nothing except your own understanding.
"""

import jax, jax.numpy as jnp
import numpy as np

ZERO_WEIGHTING = 0.5
NONZERO_WEIGHTING = 1.0


def setup_inputs(seed: int = 0) -> dict:
    key = jax.random.key(seed)
    k1, k2, k3 = jax.random.split(key, 3)
    shape = (4, 96, 224, 224)
    reconstructed_image = jax.random.normal(k1, shape, dtype=jnp.float32)
    target_image = jax.random.uniform(k2, shape, dtype=jnp.float32)
    # sparsify: ~50% exact zeros so the zero-pixel loss branch is non-degenerate
    keep_mask = (jax.random.uniform(k3, shape) > 0.5).astype(jnp.float32)
    target_image = target_image * keep_mask
    return {"reconstructed_image": reconstructed_image, "target_image": target_image}


def reference(reconstructed_image, target_image):
    # loss_func_zeros = MSELoss (mean), loss_func_nonzeros = L1Loss (mean)
    zero_mask = (target_image == 0).astype(jnp.float32)
    nonzero_mask = 1.0 - zero_mask
    diff = reconstructed_image - target_image

    n_zero = jnp.sum(zero_mask)
    n_nonzero = jnp.sum(nonzero_mask)

    # masked MSE over zero pixels (mean reduction)
    zero_loss = jnp.sum((diff * diff) * zero_mask) / jnp.maximum(n_zero, 1.0)
    # masked L1 over nonzero pixels (mean reduction)
    nonzero_loss = jnp.sum(jnp.abs(diff) * nonzero_mask) / jnp.maximum(n_nonzero, 1.0)

    # emulate: if torch.isnan(loss): loss = 0  (NaN occurs only when the mask is empty)
    zero_loss = jnp.where(n_zero > 0, zero_loss, 0.0)
    nonzero_loss = jnp.where(n_nonzero > 0, nonzero_loss, 0.0)

    weighted_split_loss = ZERO_WEIGHTING * zero_loss + NONZERO_WEIGHTING * nonzero_loss
    return weighted_split_loss

if __name__ == "__main__":
    import jax
    _d = setup_inputs()
    print(jax.jit(kernel)(*tuple(_d.values())))

</pallas_src>

<mosaic_0001>
#map = affine_map<(d0, d1) -> (0, 0, 0)>
module attributes {stable_mosaic.version = 14 : i64} {
  func.func @_sc_body(%arg0: i32, %arg1: i32, %arg2: memref<384x224x224xf32, #tpu.memory_space<hbm>>, %arg3: memref<384x224x224xf32, #tpu.memory_space<hbm>>, %arg4: memref<32x3x16xf32, #tpu.memory_space<hbm>>, %arg5: memref<2x112x224xf32, #tpu.memory_space<vmem>>, %arg6: memref<2x112x224xf32, #tpu.memory_space<vmem>>, %arg7: memref<3x16xf32, #tpu.memory_space<vmem>>, %arg8: memref<2x!tpu.dma_semaphore, #tpu.memory_space<semaphore_mem>>, %arg9: memref<2x!tpu.dma_semaphore, #tpu.memory_space<semaphore_mem>>) attributes {dimension_semantics = [#tpu.dimension_semantics<core_parallel>, #tpu.dimension_semantics<subcore_parallel>], iteration_bounds = array<i64: 2, 16>, scalar_prefetch = 0 : i64, scratch_operands = 5 : i64, tpu.core_type = #tpu.core_type<sc_vector_subcore>, window_params = [{transform_indices = #map}, {transform_indices = #map}, {transform_indices = #map}]} {
    %mul3A = arith.constant 2 : i32
    %mul3A_0 = arith.muli %arg1, %mul3A : i32
    %add3A = arith.addi %mul3A_0, %arg0 : i32
    %mul3A_1 = arith.constant 2 : i32
    %mul3A_2 = arith.muli %add3A, %mul3A_1 : i32
    %add3A_3 = arith.constant 0 : i32
    %add3A_4 = arith.addi %mul3A_2, %add3A_3 : i32
    %dma_start3A = arith.constant 0 : i32
    %dma_start3A_5 = arith.constant 0 : i32
    %dma_start3A_6 = arith.constant 0 : i32
    %dma_start3A_7 = arith.constant 0 : i32
    %dma_start3A_8 = tpu.memref_slice %arg5[%dma_start3A, %dma_start3A_6, %dma_start3A_7] : memref<2x112x224xf32, #tpu.memory_space<vmem>> -> memref<1x112x224xf32, #tpu.memory_space<vmem>>
    %dma_start3A_9 = tpu.memref_squeeze %dma_start3A_8 : memref<1x112x224xf32, #tpu.memory_space<vmem>> -> memref<112x224xf32, #tpu.memory_space<vmem>>
    %dma_start3A_10 = arith.constant 0 : i32
    %dma_start3A_11 = arith.constant 0 : i32
    %dma_start3A_12 = tpu.memref_slice %arg2[%add3A_4, %dma_start3A_10, %dma_start3A_11] : memref<384x224x224xf32, #tpu.memory_space<hbm>> -> memref<1x112x224xf32, #tpu.memory_space<hbm>>
    %dma_start3A_13 = tpu.memref_squeeze %dma_start3A_12 : memref<1x112x224xf32, #tpu.memory_space<hbm>> -> memref<112x224xf32, #tpu.memory_space<hbm>>
    %dma_start3A_14 = tpu.memref_slice %arg8[%dma_start3A_5] : memref<2x!tpu.dma_semaphore, #tpu.memory_space<semaphore_mem>> -> memref<1x!tpu.dma_semaphore, #tpu.memory_space<semaphore_mem>>
    %dma_start3A_15 = tpu.memref_squeeze %dma_start3A_14 : memref<1x!tpu.dma_semaphore, #tpu.memory_space<semaphore_mem>> -> memref<!tpu.dma_semaphore, #tpu.memory_space<semaphore_mem>>
    %dma_start3A_16 = arith.constant 0 : i32
    %dma_start3A_17 = arith.constant 0 : i32
    %dma_start3A_18 = tpu.memref_slice %arg5[%dma_start3A, %dma_start3A_16, %dma_start3A_17] : memref<2x112x224xf32, #tpu.memory_space<vmem>> -> memref<1x112x224xf32, #tpu.memory_space<vmem>>
    %dma_start3A_19 = tpu.memref_squeeze %dma_start3A_18 : memref<1x112x224xf32, #tpu.memory_space<vmem>> -> memref<112x224xf32, #tpu.memory_space<vmem>>
    %dma_start3A_20 = arith.constant 0 : i32
    %dma_start3A_21 = arith.constant 0 : i32
    %dma_start3A_22 = tpu.memref_slice %arg2[%add3A_4, %dma_start3A_20, %dma_start3A_21] : memref<384x224x224xf32, #tpu.memory_space<hbm>> -> memref<1x112x224xf32, #tpu.memory_space<hbm>>
    %dma_start3A_23 = tpu.memref_squeeze %dma_start3A_22 : memref<1x112x224xf32, #tpu.memory_space<hbm>> -> memref<112x224xf32, #tpu.memory_space<hbm>>
    tpu.enqueue_dma source(%dma_start3A_23 : memref<112x224xf32, #tpu.memory_space<hbm>>) target(%dma_start3A_19 : memref<112x224xf32, #tpu.memory_space<vmem>>) target_semaphore(%dma_start3A_15 : memref<!tpu.dma_semaphore, #tpu.memory_space<semaphore_mem>>)
    %add3A_24 = arith.constant 0 : i32
    %add3A_25 = arith.addi %mul3A_2, %add3A_24 : i32
    %dma_start3A_26 = arith.constant 0 : i32
    %dma_start3A_27 = arith.constant 0 : i32
    %dma_start3A_28 = arith.constant 0 : i32
    %dma_start3A_29 = arith.constant 0 : i32
    %dma_start3A_30 = tpu.memref_slice %arg6[%dma_start3A_26, %dma_start3A_28, %dma_start3A_29] : memref<2x112x224xf32, #tpu.memory_space<vmem>> -> memref<1x112x224xf32, #tpu.memory_space<vmem>>
    %dma_start3A_31 = tpu.memref_squeeze %dma_start3A_30 : memref<1x112x224xf32, #tpu.memory_space<vmem>> -> memref<112x224xf32, #tpu.memory_space<vmem>>
    %dma_start3A_32 = arith.constant 0 : i32
    %dma_start3A_33 = arith.constant 0 : i32
    %dma_start3A_34 = tpu.memref_slice %arg3[%add3A_25, %dma_start3A_32, %dma_start3A_33] : memref<384x224x224xf32, #tpu.memory_space<hbm>> -> memref<1x112x224xf32, #tpu.memory_space<hbm>>
    %dma_start3A_35 = tpu.memref_squeeze %dma_start3A_34 : memref<1x112x224xf32, #tpu.memory_space<hbm>> -> memref<112x224xf32, #tpu.memory_space<hbm>>
    %dma_start3A_36 = tpu.memref_slice %arg9[%dma_start3A_27] : memref<2x!tpu.dma_semaphore, #tpu.memory_space<semaphore_mem>> -> memref<1x!tpu.dma_semaphore, #tpu.memory_space<semaphore_mem>>
    %dma_start3A_37 = tpu.memref_squeeze %dma_start3A_36 : memref<1x!tpu.dma_semaphore, #tpu.memory_space<semaphore_mem>> -> memref<!tpu.dma_semaphore, #tpu.memory_space<semaphore_mem>>
    %dma_start3A_38 = arith.constant 0 : i32
    %dma_start3A_39 = arith.constant 0 : i32
    %dma_start3A_40 = tpu.memref_slice %arg6[%dma_start3A_26, %dma_start3A_38, %dma_start3A_39] : memref<2x112x224xf32, #tpu.memory_space<vmem>> -> memref<1x112x224xf32, #tpu.memory_space<vmem>>
    %dma_start3A_41 = tpu.memref_squeeze %dma_start3A_40 : memref<1x112x224xf32, #tpu.memory_space<vmem>> -> memref<112x224xf32, #tpu.memory_space<vmem>>
    %dma_start3A_42 = arith.constant 0 : i32
    %dma_start3A_43 = arith.constant 0 : i32
    %dma_start3A_44 = tpu.memref_slice %arg3[%add3A_25, %dma_start3A_42, %dma_start3A_43] : memref<384x224x224xf32, #tpu.memory_space<hbm>> -> memref<1x112x224xf32, #tpu.memory_space<hbm>>
    %dma_start3A_45 = tpu.memref_squeeze %dma_start3A_44 : memref<1x112x224xf32, #tpu.memory_space<hbm>> -> memref<112x224xf32, #tpu.memory_space<hbm>>
    tpu.enqueue_dma source(%dma_start3A_45 : memref<112x224xf32, #tpu.memory_space<hbm>>) target(%dma_start3A_41 : memref<112x224xf32, #tpu.memory_space<vmem>>) target_semaphore(%dma_start3A_37 : memref<!tpu.dma_semaphore, #tpu.memory_space<semaphore_mem>>)
    %add3A_46 = arith.constant 0 : i32
    %add3A_47 = arith.addi %mul3A_2, %add3A_46 : i32
    %dma_start3A_48 = arith.constant 1 : i32
    %dma_start3A_49 = arith.constant 1 : i32
    %dma_start3A_50 = arith.constant 0 : i32
    %dma_start3A_51 = arith.constant 0 : i32
    %dma_start3A_52 = tpu.memref_slice %arg5[%dma_start3A_48, %dma_start3A_50, %dma_start3A_51] : memref<2x112x224xf32, #tpu.memory_space<vmem>> -> memref<1x112x224xf32, #tpu.memory_space<vmem>>
    %dma_start3A_53 = tpu.memref_squeeze %dma_start3A_52 : memref<1x112x224xf32, #tpu.memory_space<vmem>> -> memref<112x224xf32, #tpu.memory_space<vmem>>
    %dma_start3A_54 = arith.constant 112 : i32
    %dma_start3A_55 = arith.constant 0 : i32
    %dma_start3A_56 = tpu.memref_slice %arg2[%add3A_47, %dma_start3A_54, %dma_start3A_55] : memref<384x224x224xf32, #tpu.memory_space<hbm>> -> memref<1x112x224xf32, #tpu.memory_space<hbm>>
    %dma_start3A_57 = tpu.memref_squeeze %dma_start3A_56 : memref<1x112x224xf32, #tpu.memory_space<hbm>> -> memref<112x224xf32, #tpu.memory_space<hbm>>
    %dma_start3A_58 = tpu.memref_slice %arg8[%dma_start3A_49] : memref<2x!tpu.dma_semaphore, #tpu.memory_space<semaphore_mem>> -> memref<1x!tpu.dma_semaphore, #tpu.memory_space<semaphore_mem>>
    %dma_start3A_59 = tpu.memref_squeeze %dma_start3A_58 : memref<1x!tpu.dma_semaphore, #tpu.memory_space<semaphore_mem>> -> memref<!tpu.dma_semaphore, #tpu.memory_space<semaphore_mem>>
    %dma_start3A_60 = arith.constant 0 : i32
    %dma_start3A_61 = arith.constant 0 : i32
    %dma_start3A_62 = tpu.memref_slice %arg5[%dma_start3A_48, %dma_start3A_60, %dma_start3A_61] : memref<2x112x224xf32, #tpu.memory_space<vmem>> -> memref<1x112x224xf32, #tpu.memory_space<vmem>>
    %dma_start3A_63 = tpu.memref_squeeze %dma_start3A_62 : memref<1x112x224xf32, #tpu.memory_space<vmem>> -> memref<112x224xf32, #tpu.memory_space<vmem>>
    %dma_start3A_64 = arith.constant 112 : i32
    %dma_start3A_65 = arith.constant 0 : i32
    %dma_start3A_66 = tpu.memref_slice %arg2[%add3A_47, %dma_start3A_64, %dma_start3A_65] : memref<384x224x224xf32, #tpu.memory_space<hbm>> -> memref<1x112x224xf32, #tpu.memory_space<hbm>>
    %dma_start3A_67 = tpu.memref_squeeze %dma_start3A_66 : memref<1x112x224xf32, #tpu.memory_space<hbm>> -> memref<112x224xf32, #tpu.memory_space<hbm>>
    tpu.enqueue_dma source(%dma_start3A_67 : memref<112x224xf32, #tpu.memory_space<hbm>>) target(%dma_start3A_63 : memref<112x224xf32, #tpu.memory_space<vmem>>) target_semaphore(%dma_start3A_59 : memref<!tpu.dma_semaphore, #tpu.memory_space<semaphore_mem>>)
    %add3A_68 = arith.constant 0 : i32
    %add3A_69 = arith.addi %mul3A_2, %add3A_68 : i32
    %dma_start3A_70 = arith.constant 1 : i32
    %dma_start3A_71 = arith.constant 1 : i32
    %dma_start3A_72 = arith.constant 0 : i32
    %dma_start3A_73 = arith.constant 0 : i32
    %dma_start3A_74 = tpu.memref_slice %arg6[%dma_start3A_70, %dma_start3A_72, %dma_start3A_73] : memref<2x112x224xf32, #tpu.memory_space<vmem>> -> memref<1x112x224xf32, #tpu.memory_space<vmem>>
    %dma_start3A_75 = tpu.memref_squeeze %dma_start3A_74 : memref<1x112x224xf32, #tpu.memory_space<vmem>> -> memref<112x224xf32, #tpu.memory_space<vmem>>
    %dma_start3A_76 = arith.constant 112 : i32
    %dma_start3A_77 = arith.constant 0 : i32
    %dma_start3A_78 = tpu.memref_slice %arg3[%add3A_69, %dma_start3A_76, %dma_start3A_77] : memref<384x224x224xf32, #tpu.memory_space<hbm>> -> memref<1x112x224xf32, #tpu.memory_space<hbm>>
    %dma_start3A_79 = tpu.memref_squeeze %dma_start3A_78 : memref<1x112x224xf32, #tpu.memory_space<hbm>> -> memref<112x224xf32, #tpu.memory_space<hbm>>
    %dma_start3A_80 = tpu.memref_slice %arg9[%dma_start3A_71] : memref<2x!tpu.dma_semaphore, #tpu.memory_space<semaphore_mem>> -> memref<1x!tpu.dma_semaphore, #tpu.memory_space<semaphore_mem>>
    %dma_start3A_81 = tpu.memref_squeeze %dma_start3A_80 : memref<1x!tpu.dma_semaphore, #tpu.memory_space<semaphore_mem>> -> memref<!tpu.dma_semaphore, #tpu.memory_space<semaphore_mem>>
    %dma_start3A_82 = arith.constant 0 : i32
    %dma_start3A_83 = arith.constant 0 : i32
    %dma_start3A_84 = tpu.memref_slice %arg6[%dma_start3A_70, %dma_start3A_82, %dma_start3A_83] : memref<2x112x224xf32, #tpu.memory_space<vmem>> -> memref<1x112x224xf32, #tpu.memory_space<vmem>>
    %dma_start3A_85 = tpu.memref_squeeze %dma_start3A_84 : memref<1x112x224xf32, #tpu.memory_space<vmem>> -> memref<112x224xf32, #tpu.memory_space<vmem>>
    %dma_start3A_86 = arith.constant 112 : i32
    %dma_start3A_87 = arith.constant 0 : i32
    %dma_start3A_88 = tpu.memref_slice %arg3[%add3A_69, %dma_start3A_86, %dma_start3A_87] : memref<384x224x224xf32, #tpu.memory_space<hbm>> -> memref<1x112x224xf32, #tpu.memory_space<hbm>>
    %dma_start3A_89 = tpu.memref_squeeze %dma_start3A_88 : memref<1x112x224xf32, #tpu.memory_space<hbm>> -> memref<112x224xf32, #tpu.memory_space<hbm>>
    tpu.enqueue_dma source(%dma_start3A_89 : memref<112x224xf32, #tpu.memory_space<hbm>>) target(%dma_start3A_85 : memref<112x224xf32, #tpu.memory_space<vmem>>) target_semaphore(%dma_start3A_81 : memref<!tpu.dma_semaphore, #tpu.memory_space<semaphore_mem>>)
    %broadcast_in_dim3A = arith.constant 0.000000e+00 : f32
    %broadcast_in_dim3A_90 = vector.broadcast %broadcast_in_dim3A : f32 to vector<16xf32>
    %scan3A = arith.constant 0 : i32
    %scan3A_91 = arith.constant 2 : i32
    %scan3A_92 = arith.addi %scan3A, %scan3A_91 : i32
    %scan3A_93 = arith.constant 1 : i32
    %scan3A_94:3 = scf.for %scan3A_113 = %scan3A to %scan3A_92 step %scan3A_93 iter_args(%scan3A_114 = %broadcast_in_dim3A_90, %scan3A_115 = %broadcast_in_dim3A_90, %scan3A_116 = %broadcast_in_dim3A_90) -> (vector<16xf32>, vector<16xf32>, vector<16xf32>)  : i32 {
      %mul3A_117 = arith.constant 2 : i32
      %mul3A_118 = arith.muli %mul3A_117, %scan3A_113 : i32
      %jit3A = arith.constant 2 : i32
      %div3A = arith.divsi %mul3A_118, %jit3A : i32
      %sign3A = arith.constant 0 : i32
      %sign3A_119 = arith.cmpi sgt, %mul3A_118, %sign3A : i32
      %sign3A_120 = arith.extui %sign3A_119 : i1 to i32
      %sign3A_121 = arith.constant 0 : i32
      %sign3A_122 = arith.cmpi slt, %mul3A_118, %sign3A_121 : i32
      %sign3A_123 = arith.extui %sign3A_122 : i1 to i32
      %sign3A_124 = arith.subi %sign3A_120, %sign3A_123 : i32
      %sign3A_125 = arith.constant 0 : i32
      %sign3A_126 = arith.cmpi sgt, %jit3A, %sign3A_125 : i32
      %sign3A_127 = arith.extui %sign3A_126 : i1 to i32
      %sign3A_128 = arith.constant 0 : i32
      %sign3A_129 = arith.cmpi slt, %jit3A, %sign3A_128 : i32
      %sign3A_130 = arith.extui %sign3A_129 : i1 to i32
      %sign3A_131 = arith.subi %sign3A_127, %sign3A_130 : i32
      %ne3A = arith.cmpi ne, %sign3A_124, %sign3A_131 : i32
      %rem3A = arith.remsi %mul3A_118, %jit3A : i32
      %ne3A_132 = arith.constant 0 : i32
      %ne3A_133 = arith.cmpi ne, %rem3A, %ne3A_132 : i32
      %and3A = arith.andi %ne3A, %ne3A_133 : i1
      %sub3A = arith.constant 1 : i32
      %sub3A_134 = arith.subi %div3A, %sub3A : i32
      %select_n3A = arith.select %and3A, %sub3A_134, %div3A : i32
      %add3A_135 = arith.addi %mul3A_2, %select_n3A : i32
      %jit3A_136 = arith.constant 2 : i32
      %eq3A = arith.constant 0 : i32
      %eq3A_137 = arith.cmpi eq, %jit3A_136, %eq3A : i32
      %jit3A_138 = arith.constant 1 : i32
      %select_n3A_139 = arith.select %eq3A_137, %jit3A_138, %jit3A_136 : i32
      %rem3A_140 = arith.remsi %mul3A_118, %select_n3A_139 : i32
      %ne3A_141 = arith.constant 0 : i32
      %ne3A_142 = arith.cmpi ne, %rem3A_140, %ne3A_141 : i32
      %lt3A = arith.constant 0 : i32
      %lt3A_143 = arith.cmpi slt, %rem3A_140, %lt3A : i32
      %lt3A_144 = arith.constant 0 : i32
      %lt3A_145 = arith.cmpi slt, %select_n3A_139, %lt3A_144 : i32
      %ne3A_146 = arith.xori %lt3A_143, %lt3A_145 : i1
      %and3A_147 = arith.andi %ne3A_146, %ne3A_142 : i1
      %add3A_148 = arith.addi %rem3A_140, %select_n3A_139 : i32
      %select_n3A_149 = arith.select %and3A_147, %add3A_148, %rem3A_140 : i32
      %mul3A_150 = arith.constant 112 : i32
      %mul3A_151 = arith.muli %select_n3A_149, %mul3A_150 : i32
      %dma_wait3A = arith.constant 0 : i32
      %dma_wait3A_152 = arith.constant 0 : i32
      %dma_wait3A_153 = arith.constant 0 : i32
      %dma_wait3A_154 = arith.constant 0 : i32
      %dma_wait3A_155 = tpu.memref_slice %arg5[%dma_wait3A, %dma_wait3A_153, %dma_wait3A_154] : memref<2x112x224xf32, #tpu.memory_space<vmem>> -> memref<1x112x224xf32, #tpu.memory_space<vmem>>
      %dma_wait3A_156 = tpu.memref_squeeze %dma_wait3A_155 : memref<1x112x224xf32, #tpu.memory_space<vmem>> -> memref<112x224xf32, #tpu.memory_space<vmem>>
      %dma_wait3A_157 = arith.constant 0 : i32
      %dma_wait3A_158 = tpu.memref_slice %arg2[%add3A_135, %mul3A_151, %dma_wait3A_157] : memref<384x224x224xf32, #tpu.memory_space<hbm>> -> memref<1x112x224xf32, #tpu.memory_space<hbm>>
      %dma_wait3A_159 = tpu.memref_squeeze %dma_wait3A_158 : memref<1x112x224xf32, #tpu.memory_space<hbm>> -> memref<112x224xf32, #tpu.memory_space<hbm>>
      %dma_wait3A_160 = tpu.memref_slice %arg8[%dma_wait3A_152] : memref<2x!tpu.dma_semaphore, #tpu.memory_space<semaphore_mem>> -> memref<1x!tpu.dma_semaphore, #tpu.memory_space<semaphore_mem>>
      %dma_wait3A_161 = tpu.memref_squeeze %dma_wait3A_160 : memref<1x!tpu.dma_semaphore, #tpu.memory_space<semaphore_mem>> -> memref<!tpu.dma_semaphore, #tpu.memory_space<semaphore_mem>>
      %dma_wait3A_162 = arith.constant 0 : i32
      %dma_wait3A_163 = arith.constant 0 : i32
      %dma_wait3A_164 = tpu.memref_slice %arg5[%dma_wait3A, %dma_wait3A_162, %dma_wait3A_163] : memref<2x112x224xf32, #tpu.memory_space<vmem>> -> memref<1x112x224xf32, #tpu.memory_space<vmem>>
      %dma_wait3A_165 = tpu.memref_squeeze %dma_wait3A_164 : memref<1x112x224xf32, #tpu.memory_space<vmem>> -> memref<112x224xf32, #tpu.memory_space<vmem>>
      %dma_wait3A_166 = arith.constant 0 : i32
      %dma_wait3A_167 = tpu.memref_slice %arg2[%add3A_135, %mul3A_151, %dma_wait3A_166] : memref<384x224x224xf32, #tpu.memory_space<hbm>> -> memref<1x112x224xf32, #tpu.memory_space<hbm>>
      %dma_wait3A_168 = tpu.memref_squeeze %dma_wait3A_167 : memref<1x112x224xf32, #tpu.memory_space<hbm>> -> memref<112x224xf32, #tpu.memory_space<hbm>>
      tpu.wait_dma2 semaphore(%dma_wait3A_161 : memref<!tpu.dma_semaphore, #tpu.memory_space<semaphore_mem>>) src(%dma_wait3A_168 : memref<112x224xf32, #tpu.memory_space<hbm>>) dst(%dma_wait3A_165 : memref<112x224xf32, #tpu.memory_space<vmem>>)
      %jit3A_169 = arith.constant 2 : i32
      %div3A_170 = arith.divsi %mul3A_118, %jit3A_169 : i32
      %sign3A_171 = arith.constant 0 : i32
      %sign3A_172 = arith.cmpi sgt, %mul3A_118, %sign3A_171 : i32
      %sign3A_173 = arith.extui %sign3A_172 : i1 to i32
      %sign3A_174 = arith.constant 0 : i32
      %sign3A_175 = arith.cmpi slt, %mul3A_118, %sign3A_174 : i32
      %sign3A_176 = arith.extui %sign3A_175 : i1 to i32
      %sign3A_177 = arith.subi %sign3A_173, %sign3A_176 : i32
      %sign3A_178 = arith.constant 0 : i32
      %sign3A_179 = arith.cmpi sgt, %jit3A_169, %sign3A_178 : i32
      %sign3A_180 = arith.extui %sign3A_179 : i1 to i32
      %sign3A_181 = arith.constant 0 : i32
      %sign3A_182 = arith.cmpi slt, %jit3A_169, %sign3A_181 : i32
      %sign3A_183 = arith.extui %sign3A_182 : i1 to i32
      %sign3A_184 = arith.subi %sign3A_180, %sign3A_183 : i32
      %ne3A_185 = arith.cmpi ne, %sign3A_177, %sign3A_184 : i32
      %rem3A_186 = arith.remsi %mul3A_118, %jit3A_169 : i32
      %ne3A_187 = arith.constant 0 : i32
      %ne3A_188 = arith.cmpi ne, %rem3A_186, %ne3A_187 : i32
      %and3A_189 = arith.andi %ne3A_185, %ne3A_188 : i1
      %sub3A_190 = arith.constant 1 : i32
      %sub3A_191 = arith.subi %div3A_170, %sub3A_190 : i32
      %select_n3A_192 = arith.select %and3A_189, %sub3A_191, %div3A_170 : i32
      %add3A_193 = arith.addi %mul3A_2, %select_n3A_192 : i32
      %jit3A_194 = arith.constant 2 : i32
      %eq3A_195 = arith.constant 0 : i32
      %eq3A_196 = arith.cmpi eq, %jit3A_194, %eq3A_195 : i32
      %jit3A_197 = arith.constant 1 : i32
      %select_n3A_198 = arith.select %eq3A_196, %jit3A_197, %jit3A_194 : i32
      %rem3A_199 = arith.remsi %mul3A_118, %select_n3A_198 : i32
      %ne3A_200 = arith.constant 0 : i32
      %ne3A_201 = arith.cmpi ne, %rem3A_199, %ne3A_200 : i32
      %lt3A_202 = arith.constant 0 : i32
      %lt3A_203 = arith.cmpi slt, %rem3A_199, %lt3A_202 : i32
      %lt3A_204 = arith.constant 0 : i32
      %lt3A_205 = arith.cmpi slt, %select_n3A_198, %lt3A_204 : i32
      %ne3A_206 = arith.xori %lt3A_203, %lt3A_205 : i1
      %and3A_207 = arith.andi %ne3A_206, %ne3A_201 : i1
      %add3A_208 = arith.addi %rem3A_199, %select_n3A_198 : i32
      %select_n3A_209 = arith.select %and3A_207, %add3A_208, %rem3A_199 : i32
      %mul3A_210 = arith.constant 112 : i32
      %mul3A_211 = arith.muli %select_n3A_209, %mul3A_210 : i32
      %dma_wait3A_212 = arith.constant 0 : i32
      %dma_wait3A_213 = arith.constant 0 : i32
      %dma_wait3A_214 = arith.constant 0 : i32
      %dma_wait3A_215 = arith.constant 0 : i32
      %dma_wait3A_216 = tpu.memref_slice %arg6[%dma_wait3A_212, %dma_wait3A_214, %dma_wait3A_215] : memref<2x112x224xf32, #tpu.memory_space<vmem>> -> memref<1x112x224xf32, #tpu.memory_space<vmem>>
      %dma_wait3A_217 = tpu.memref_squeeze %dma_wait3A_216 : memref<1x112x224xf32, #tpu.memory_space<vmem>> -> memref<112x224xf32, #tpu.memory_space<vmem>>
      %dma_wait3A_218 = arith.constant 0 : i32
      %dma_wait3A_219 = tpu.memref_slice %arg3[%add3A_193, %mul3A_211, %dma_wait3A_218] : memref<384x224x224xf32, #tpu.memory_space<hbm>> -> memref<1x112x224xf32, #tpu.memory_space<hbm>>
      %dma_wait3A_220 = tpu.memref_squeeze %dma_wait3A_219 : memref<1x112x224xf32, #tpu.memory_space<hbm>> -> memref<112x224xf32, #tpu.memory_space<hbm>>
      %dma_wait3A_221 = tpu.memref_slice %arg9[%dma_wait3A_213] : memref<2x!tpu.dma_semaphore, #tpu.memory_space<semaphore_mem>> -> memref<1x!tpu.dma_semaphore, #tpu.memory_space<semaphore_mem>>
      %dma_wait3A_222 = tpu.memref_squeeze %dma_wait3A_221 : memref<1x!tpu.dma_semaphore, #tpu.memory_space<semaphore_mem>> -> memref<!tpu.dma_semaphore, #tpu.memory_space<semaphore_mem>>
      %dma_wait3A_223 = arith.constant 0 : i32
      %dma_wait3A_224 = arith.constant 0 : i32
      %dma_wait3A_225 = tpu.memref_slice %arg6[%dma_wait3A_212, %dma_wait3A_223, %dma_wait3A_224] : memref<2x112x224xf32, #tpu.memory_space<vmem>> -> memref<1x112x224xf32, #tpu.memory_space<vmem>>
      %dma_wait3A_226 = tpu.memref_squeeze %dma_wait3A_225 : memref<1x112x224xf32, #tpu.memory_space<vmem>> -> memref<112x224xf32, #tpu.memory_space<vmem>>
      %dma_wait3A_227 = arith.constant 0 : i32
      %dma_wait3A_228 = tpu.memref_slice %arg3[%add3A_193, %mul3A_211, %dma_wait3A_227] : memref<384x224x224xf32, #tpu.memory_space<hbm>> -> memref<1x112x224xf32, #tpu.memory_space<hbm>>
      %dma_wait3A_229 = tpu.memref_squeeze %dma_wait3A_228 : memref<1x112x224xf32, #tpu.memory_space<hbm>> -> memref<112x224xf32, #tpu.memory_space<hbm>>
      tpu.wait_dma2 semaphore(%dma_wait3A_222 : memref<!tpu.dma_semaphore, #tpu.memory_space<semaphore_mem>>) src(%dma_wait3A_229 : memref<112x224xf32, #tpu.memory_space<hbm>>) dst(%dma_wait3A_226 : memref<112x224xf32, #tpu.memory_space<vmem>>)
      %add3A_230 = arith.constant 2 : i32
      %add3A_231 = arith.addi %mul3A_118, %add3A_230 : i32
      %lt3A_232 = arith.constant 4 : i32
      %lt3A_233 = arith.cmpi slt, %add3A_231, %lt3A_232 : i32
      %convert_element_type3A = arith.extui %lt3A_233 : i1 to i32
      %cond3A = arith.constant 0 : i32
      %cond3A_234 = arith.cmpi ne, %convert_element_type3A, %cond3A : i32
      scf.if %cond3A_234 {
        %add3A_378 = arith.constant 2 : i32
        %add3A_379 = arith.addi %mul3A_118, %add3A_378 : i32
        %jit3A_380 = arith.constant 2 : i32
        %div3A_381 = arith.divsi %add3A_379, %jit3A_380 : i32
        %sign3A_382 = arith.constant 0 : i32
        %sign3A_383 = arith.cmpi sgt, %add3A_379, %sign3A_382 : i32
        %sign3A_384 = arith.extui %sign3A_383 : i1 to i32
        %sign3A_385 = arith.constant 0 : i32
        %sign3A_386 = arith.cmpi slt, %add3A_379, %sign3A_385 : i32
        %sign3A_387 = arith.extui %sign3A_386 : i1 to i32
        %sign3A_388 = arith.subi %sign3A_384, %sign3A_387 : i32
        %sign3A_389 = arith.constant 0 : i32
        %sign3A_390 = arith.cmpi sgt, %jit3A_380, %sign3A_389 : i32
        %sign3A_391 = arith.extui %sign3A_390 : i1 to i32
        %sign3A_392 = arith.constant 0 : i32
        %sign3A_393 = arith.cmpi slt, %jit3A_380, %sign3A_392 : i32
        %sign3A_394 = arith.extui %sign3A_393 : i1 to i32
        %sign3A_395 = arith.subi %sign3A_391, %sign3A_394 : i32
        %ne3A_396 = arith.cmpi ne, %sign3A_388, %sign3A_395 : i32
        %rem3A_397 = arith.remsi %add3A_379, %jit3A_380 : i32
        %ne3A_398 = arith.constant 0 : i32
        %ne3A_399 = arith.cmpi ne, %rem3A_397, %ne3A_398 : i32
        %and3A_400 = arith.andi %ne3A_396, %ne3A_399 : i1
        %sub3A_401 = arith.constant 1 : i32
        %sub3A_402 = arith.subi %div3A_381, %sub3A_401 : i32
        %select_n3A_403 = arith.select %and3A_400, %sub3A_402, %div3A_381 : i32
        %add3A_404 = arith.addi %mul3A_2, %select_n3A_403 : i32
        %jit3A_405 = arith.constant 2 : i32
        %eq3A_406 = arith.constant 0 : i32
        %eq3A_407 = arith.cmpi eq, %jit3A_405, %eq3A_406 : i32
        %jit3A_408 = arith.constant 1 : i32
        %select_n3A_409 = arith.select %eq3A_407, %jit3A_408, %jit3A_405 : i32
        %rem3A_410 = arith.remsi %add3A_379, %select_n3A_409 : i32
        %ne3A_411 = arith.constant 0 : i32
        %ne3A_412 = arith.cmpi ne, %rem3A_410, %ne3A_411 : i32
        %lt3A_413 = arith.constant 0 : i32
        %lt3A_414 = arith.cmpi slt, %rem3A_410, %lt3A_413 : i32
        %lt3A_415 = arith.constant 0 : i32
        %lt3A_416 = arith.cmpi slt, %select_n3A_409, %lt3A_415 : i32
        %ne3A_417 = arith.xori %lt3A_414, %lt3A_416 : i1
        %and3A_418 = arith.andi %ne3A_417, %ne3A_412 : i1
        %add3A_419 = arith.addi %rem3A_410, %select_n3A_409 : i32
        %select_n3A_420 = arith.select %and3A_418, %add3A_419, %rem3A_410 : i32
        %mul3A_421 = arith.constant 112 : i32
        %mul3A_422 = arith.muli %select_n3A_420, %mul3A_421 : i32
        %dma_start3A_423 = arith.constant 0 : i32
        %dma_start3A_424 = arith.constant 0 : i32
        %dma_start3A_425 = arith.constant 0 : i32
        %dma_start3A_426 = arith.constant 0 : i32
        %dma_start3A_427 = tpu.memref_slice %arg5[%dma_start3A_423, %dma_start3A_425, %dma_start3A_426] : memref<2x112x224xf32, #tpu.memory_space<vmem>> -> memref<1x112x224xf32, #tpu.memory_space<vmem>>
        %dma_start3A_428 = tpu.memref_squeeze %dma_start3A_427 : memref<1x112x224xf32, #tpu.memory_space<vmem>> -> memref<112x224xf32, #tpu.memory_space<vmem>>
        %dma_start3A_429 = arith.constant 0 : i32
        %dma_start3A_430 = tpu.memref_slice %arg2[%add3A_404, %mul3A_422, %dma_start3A_429] : memref<384x224x224xf32, #tpu.memory_space<hbm>> -> memref<1x112x224xf32, #tpu.memory_space<hbm>>
        %dma_start3A_431 = tpu.memref_squeeze %dma_start3A_430 : memref<1x112x224xf32, #tpu.memory_space<hbm>> -> memref<112x224xf32, #tpu.memory_space<hbm>>
        %dma_start3A_432 = tpu.memref_slice %arg8[%dma_start3A_424] : memref<2x!tpu.dma_semaphore, #tpu.memory_space<semaphore_mem>> -> memref<1x!tpu.dma_semaphore, #tpu.memory_space<semaphore_mem>>
        %dma_start3A_433 = tpu.memref_squeeze %dma_start3A_432 : memref<1x!tpu.dma_semaphore, #tpu.memory_space<semaphore_mem>> -> memref<!tpu.dma_semaphore, #tpu.memory_space<semaphore_mem>>
        %dma_start3A_434 = arith.constant 0 : i32
        %dma_start3A_435 = arith.constant 0 : i32
        %dma_start3A_436 = tpu.memref_slice %arg5[%dma_start3A_423, %dma_start3A_434, %dma_start3A_435] : memref<2x112x224xf32, #tpu.memory_space<vmem>> -> memref<1x112x224xf32, #tpu.memory_space<vmem>>
        %dma_start3A_437 = tpu.memref_squeeze %dma_start3A_436 : memref<1x112x224xf32, #tpu.memory_space<vmem>> -> memref<112x224xf32, #tpu.memory_space<vmem>>
        %dma_start3A_438 = arith.constant 0 : i32
        %dma_start3A_439 = tpu.memref_slice %arg2[%add3A_404, %mul3A_422, %dma_start3A_438] : memref<384x224x224xf32, #tpu.memory_space<hbm>> -> memref<1x112x224xf32, #tpu.memory_space<hbm>>
        %dma_start3A_440 = tpu.memref_squeeze %dma_start3A_439 : memref<1x112x224xf32, #tpu.memory_space<hbm>> -> memref<112x224xf32, #tpu.memory_space<hbm>>
        tpu.enqueue_dma source(%dma_start3A_440 : memref<112x224xf32, #tpu.memory_space<hbm>>) target(%dma_start3A_437 : memref<112x224xf32, #tpu.memory_space<vmem>>) target_semaphore(%dma_start3A_433 : memref<!tpu.dma_semaphore, #tpu.memory_space<semaphore_mem>>)
        %jit3A_441 = arith.constant 2 : i32
        %div3A_442 = arith.divsi %add3A_379, %jit3A_441 : i32
        %sign3A_443 = arith.constant 0 : i32
        %sign3A_444 = arith.cmpi sgt, %add3A_379, %sign3A_443 : i32
        %sign3A_445 = arith.extui %sign3A_444 : i1 to i32
        %sign3A_446 = arith.constant 0 : i32
        %sign3A_447 = arith.cmpi slt, %add3A_379, %sign3A_446 : i32
        %sign3A_448 = arith.extui %sign3A_447 : i1 to i32
        %sign3A_449 = arith.subi %sign3A_445, %sign3A_448 : i32
        %sign3A_450 = arith.constant 0 : i32
        %sign3A_451 = arith.cmpi sgt, %jit3A_441, %sign3A_450 : i32
        %sign3A_452 = arith.extui %sign3A_451 : i1 to i32
        %sign3A_453 = arith.constant 0 : i32
        %sign3A_454 = arith.cmpi slt, %jit3A_441, %sign3A_453 : i32
        %sign3A_455 = arith.extui %sign3A_454 : i1 to i32
        %sign3A_456 = arith.subi %sign3A_452, %sign3A_455 : i32
        %ne3A_457 = arith.cmpi ne, %sign3A_449, %sign3A_456 : i32
        %rem3A_458 = arith.remsi %add3A_379, %jit3A_441 : i32
        %ne3A_459 = arith.constant 0 : i32
        %ne3A_460 = arith.cmpi ne, %rem3A_458, %ne3A_459 : i32
        %and3A_461 = arith.andi %ne3A_457, %ne3A_460 : i1
        %sub3A_462 = arith.constant 1 : i32
        %sub3A_463 = arith.subi %div3A_442, %sub3A_462 : i32
        %select_n3A_464 = arith.select %and3A_461, %sub3A_463, %div3A_442 : i32
        %add3A_465 = arith.addi %mul3A_2, %select_n3A_464 : i32
        %jit3A_466 = arith.constant 2 : i32
        %eq3A_467 = arith.constant 0 : i32
        %eq3A_468 = arith.cmpi eq, %jit3A_466, %eq3A_467 : i32
        %jit3A_469 = arith.constant 1 : i32
        %select_n3A_470 = arith.select %eq3A_468, %jit3A_469, %jit3A_466 : i32
        %rem3A_471 = arith.remsi %add3A_379, %select_n3A_470 : i32
        %ne3A_472 = arith.constant 0 : i32
        %ne3A_473 = arith.cmpi ne, %rem3A_471, %ne3A_472 : i32
        %lt3A_474 = arith.constant 0 : i32
        %lt3A_475 = arith.cmpi slt, %rem3A_471, %lt3A_474 : i32
        %lt3A_476 = arith.constant 0 : i32
        %lt3A_477 = arith.cmpi slt, %select_n3A_470, %lt3A_476 : i32
        %ne3A_478 = arith.xori %lt3A_475, %lt3A_477 : i1
        %and3A_479 = arith.andi %ne3A_478, %ne3A_473 : i1
        %add3A_480 = arith.addi %rem3A_471, %select_n3A_470 : i32
        %select_n3A_481 = arith.select %and3A_479, %add3A_480, %rem3A_471 : i32
        %mul3A_482 = arith.constant 112 : i32
        %mul3A_483 = arith.muli %select_n3A_481, %mul3A_482 : i32
        %dma_start3A_484 = arith.constant 0 : i32
        %dma_start3A_485 = arith.constant 0 : i32
        %dma_start3A_486 = arith.constant 0 : i32
        %dma_start3A_487 = arith.constant 0 : i32
        %dma_start3A_488 = tpu.memref_slice %arg6[%dma_start3A_484, %dma_start3A_486, %dma_start3A_487] : memref<2x112x224xf32, #tpu.memory_space<vmem>> -> memref<1x112x224xf32, #tpu.memory_space<vmem>>
        %dma_start3A_489 = tpu.memref_squeeze %dma_start3A_488 : memref<1x112x224xf32, #tpu.memory_space<vmem>> -> memref<112x224xf32, #tpu.memory_space<vmem>>
        %dma_start3A_490 = arith.constant 0 : i32
        %dma_start3A_491 = tpu.memref_slice %arg3[%add3A_465, %mul3A_483, %dma_start3A_490] : memref<384x224x224xf32, #tpu.memory_space<hbm>> -> memref<1x112x224xf32, #tpu.memory_space<hbm>>
        %dma_start3A_492 = tpu.memref_squeeze %dma_start3A_491 : memref<1x112x224xf32, #tpu.memory_space<hbm>> -> memref<112x224xf32, #tpu.memory_space<hbm>>
        %dma_start3A_493 = tpu.memref_slice %arg9[%dma_start3A_485] : memref<2x!tpu.dma_semaphore, #tpu.memory_space<semaphore_mem>> -> memref<1x!tpu.dma_semaphore, #tpu.memory_space<semaphore_mem>>
        %dma_start3A_494 = tpu.memref_squeeze %dma_start3A_493 : memref<1x!tpu.dma_semaphore, #tpu.memory_space<semaphore_mem>> -> memref<!tpu.dma_semaphore, #tpu.memory_space<semaphore_mem>>
        %dma_start3A_495 = arith.constant 0 : i32
        %dma_start3A_496 = arith.constant 0 : i32
        %dma_start3A_497 = tpu.memref_slice %arg6[%dma_start3A_484, %dma_start3A_495, %dma_start3A_496] : memref<2x112x224xf32, #tpu.memory_space<vmem>> -> memref<1x112x224xf32, #tpu.memory_space<vmem>>
        %dma_start3A_498 = tpu.memref_squeeze %dma_start3A_497 : memref<1x112x224xf32, #tpu.memory_space<vmem>> -> memref<112x224xf32, #tpu.memory_space<vmem>>
        %dma_start3A_499 = arith.constant 0 : i32
        %dma_start3A_500 = tpu.memref_slice %arg3[%add3A_465, %mul3A_483, %dma_start3A_499] : memref<384x224x224xf32, #tpu.memory_space<hbm>> -> memref<1x112x224xf32, #tpu.memory_space<hbm>>
        %dma_start3A_501 = tpu.memref_squeeze %dma_start3A_500 : memref<1x112x224xf32, #tpu.memory_space<hbm>> -> memref<112x224xf32, #tpu.memory_space<hbm>>
        tpu.enqueue_dma source(%dma_start3A_501 : memref<112x224xf32, #tpu.memory_space<hbm>>) target(%dma_start3A_498 : memref<112x224xf32, #tpu.memory_space<vmem>>) target_semaphore(%dma_start3A_494 : memref<!tpu.dma_semaphore, #tpu.memory_space<semaphore_mem>>)
      } else {
      }
      %scan3A_235 = arith.constant 0 : i32
      %scan3A_236 = arith.constant 112 : i32
      %scan3A_237 = arith.addi %scan3A_235, %scan3A_236 : i32
      %scan3A_238 = arith.constant 1 : i32
      %scan3A_239:3 = scf.for %scan3A_378 = %scan3A_235 to %scan3A_237 step %scan3A_238 iter_args(%scan3A_379 = %scan3A_114, %scan3A_380 = %scan3A_115, %scan3A_381 = %scan3A_116) -> (vector<16xf32>, vector<16xf32>, vector<16xf32>)  : i32 {
        %get3A = arith.constant 0 : i32
        %get3A_382 = arith.index_cast %get3A : i32 to index
        %get3A_383 = arith.index_cast %scan3A_378 : i32 to index
        %get3A_384 = arith.constant 0 : index
        %get3A_385 = tpu.vector_load %arg5[%get3A_382, %get3A_383, %get3A_384] {strides = array<i32>} : memref<2x112x224xf32, #tpu.memory_space<vmem>>, vector<1x1x16xf32>,
        %get3A_386 = vector.shape_cast %get3A_385 : vector<1x1x16xf32> to vector<16xf32>
        %get3A_387 = arith.constant 0 : i32
        %get3A_388 = arith.index_cast %get3A_387 : i32 to index
        %get3A_389 = arith.index_cast %scan3A_378 : i32 to index
        %get3A_390 = arith.constant 0 : index
        %get3A_391 = tpu.vector_load %arg6[%get3A_388, %get3A_389, %get3A_390] {strides = array<i32>} : memref<2x112x224xf32, #tpu.memory_space<vmem>>, vector<1x1x16xf32>,
        %get3A_392 = vector.shape_cast %get3A_391 : vector<1x1x16xf32> to vector<16xf32>
        %eq3A_393 = arith.constant 0.000000e+00 : f32
        %eq3A_394 = vector.broadcast %eq3A_393 : f32 to vector<16xf32>
        %eq3A_395 = arith.cmpf oeq, %get3A_392, %eq3A_394 : vector<16xf32>
        %sub3A_396 = arith.subf %get3A_386, %get3A_392 : vector<16xf32>
        %mul3A_397 = arith.mulf %sub3A_396, %sub3A_396 : vector<16xf32>
        %jit3A_398 = arith.constant 0.000000e+00 : f32
        %broadcast_in_dim3A_399 = vector.broadcast %jit3A_398 : f32 to vector<16xf32>
        %select_n3A_400 = arith.select %eq3A_395, %mul3A_397, %broadcast_in_dim3A_399 : vector<16xi1>, vector<16xf32>
        %add3A_401 = arith.addf %scan3A_379, %select_n3A_400 : vector<16xf32>
        %abs3A = math.absf %sub3A_396 : vector<16xf32>
        %jit3A_402 = arith.constant 0.000000e+00 : f32
        %broadcast_in_dim3A_403 = vector.broadcast %jit3A_402 : f32 to vector<16xf32>
        %select_n3A_404 = arith.select %eq3A_395, %broadcast_in_dim3A_403, %abs3A : vector<16xi1>, vector<16xf32>
        %add3A_405 = arith.addf %scan3A_380, %select_n3A_404 : vector<16xf32>
        %jit3A_406 = arith.constant 1.000000e+00 : f32
        %jit3A_407 = arith.constant 0.000000e+00 : f32
        %broadcast_in_dim3A_408 = vector.broadcast %jit3A_406 : f32 to vector<16xf32>
        %broadcast_in_dim3A_409 = vector.broadcast %jit3A_407 : f32 to vector<16xf32>
        %select_n3A_410 = arith.select %eq3A_395, %broadcast_in_dim3A_408, %broadcast_in_dim3A_409 : vector<16xi1>, vector<16xf32>
        %add3A_411 = arith.addf %scan3A_381, %select_n3A_410 : vector<16xf32>
        %get3A_412 = arith.constant 0 : i32
        %get3A_413 = arith.index_cast %get3A_412 : i32 to index
        %get3A_414 = arith.index_cast %scan3A_378 : i32 to index
        %get3A_415 = arith.constant 16 : index
        %get3A_416 = tpu.vector_load %arg5[%get3A_413, %get3A_414, %get3A_415] {strides = array<i32>} : memref<2x112x224xf32, #tpu.memory_space<vmem>>, vector<1x1x16xf32>,
        %get3A_417 = vector.shape_cast %get3A_416 : vector<1x1x16xf32> to vector<16xf32>
        %get3A_418 = arith.constant 0 : i32
        %get3A_419 = arith.index_cast %get3A_418 : i32 to index
        %get3A_420 = arith.index_cast %scan3A_378 : i32 to index
        %get3A_421 = arith.constant 16 : index
        %get3A_422 = tpu.vector_load %arg6[%get3A_419, %get3A_420, %get3A_421] {strides = array<i32>} : memref<2x112x224xf32, #tpu.memory_space<vmem>>, vector<1x1x16xf32>,
        %get3A_423 = vector.shape_cast %get3A_422 : vector<1x1x16xf32> to vector<16xf32>
        %eq3A_424 = arith.constant 0.000000e+00 : f32
        %eq3A_425 = vector.broadcast %eq3A_424 : f32 to vector<16xf32>
        %eq3A_426 = arith.cmpf oeq, %get3A_423, %eq3A_425 : vector<16xf32>
        %sub3A_427 = arith.subf %get3A_417, %get3A_423 : vector<16xf32>
        %mul3A_428 = arith.mulf %sub3A_427, %sub3A_427 : vector<16xf32>
        %jit3A_429 = arith.constant 0.000000e+00 : f32
        %broadcast_in_dim3A_430 = vector.broadcast %jit3A_429 : f32 to vector<16xf32>
        %select_n3A_431 = arith.select %eq3A_426, %mul3A_428, %broadcast_in_dim3A_430 : vector<16xi1>, vector<16xf32>
        %add3A_432 = arith.addf %add3A_401, %select_n3A_431 : vector<16xf32>
        %abs3A_433 = math.absf %sub3A_427 : vector<16xf32>
        %jit3A_434 = arith.constant 0.000000e+00 : f32
        %broadcast_in_dim3A_435 = vector.broadcast %jit3A_434 : f32 to vector<16xf32>
        %select_n3A_436 = arith.select %eq3A_426, %broadcast_in_dim3A_435, %abs3A_433 : vector<16xi1>, vector<16xf32>
        %add3A_437 = arith.addf %add3A_405, %select_n3A_436 : vector<16xf32>
        %jit3A_438 = arith.constant 1.000000e+00 : f32
        %jit3A_439 = arith.constant 0.000000e+00 : f32
        %broadcast_in_dim3A_440 = vector.broadcast %jit3A_438 : f32 to vector<16xf32>
        %broadcast_in_dim3A_441 = vector.broadcast %jit3A_439 : f32 to vector<16xf32>
        %select_n3A_442 = arith.select %eq3A_426, %broadcast_in_dim3A_440, %broadcast_in_dim3A_441 : vector<16xi1>, vector<16xf32>
        %add3A_443 = arith.addf %add3A_411, %select_n3A_442 : vector<16xf32>
        %get3A_444 = arith.constant 0 : i32
        %get3A_445 = arith.index_cast %get3A_444 : i32 to index
        %get3A_446 = arith.index_cast %scan3A_378 : i32 to index
        %get3A_447 = arith.constant 32 : index
        %get3A_448 = tpu.vector_load %arg5[%get3A_445, %get3A_446, %get3A_447] {strides = array<i32>} : memref<2x112x224xf32, #tpu.memory_space<vmem>>, vector<1x1x16xf32>,
        %get3A_449 = vector.shape_cast %get3A_448 : vector<1x1x16xf32> to vector<16xf32>
        %get3A_450 = arith.constant 0 : i32
        %get3A_451 = arith.index_cast %get3A_450 : i32 to index
        %get3A_452 = arith.index_cast %scan3A_378 : i32 to index
        %get3A_453 = arith.constant 32 : index
        %get3A_454 = tpu.vector_load %arg6[%get3A_451, %get3A_452, %get3A_453] {strides = array<i32>} : memref<2x112x224xf32, #tpu.memory_space<vmem>>, vector<1x1x16xf32>,
        %get3A_455 = vector.shape_cast %get3A_454 : vector<1x1x16xf32> to vector<16xf32>
        %eq3A_456 = arith.constant 0.000000e+00 : f32
        %eq3A_457 = vector.broadcast %eq3A_456 : f32 to vector<16xf32>
        %eq3A_458 = arith.cmpf oeq, %get3A_455, %eq3A_457 : vector<16xf32>
        %sub3A_459 = arith.subf %get3A_449, %get3A_455 : vector<16xf32>
        %mul3A_460 = arith.mulf %sub3A_459, %sub3A_459 : vector<16xf32>
        %jit3A_461 = arith.constant 0.000000e+00 : f32
        %broadcast_in_dim3A_462 = vector.broadcast %jit3A_461 : f32 to vector<16xf32>
        %select_n3A_463 = arith.select %eq3A_458, %mul3A_460, %broadcast_in_dim3A_462 : vector<16xi1>, vector<16xf32>
        %add3A_464 = arith.addf %add3A_432, %select_n3A_463 : vector<16xf32>
        %abs3A_465 = math.absf %sub3A_459 : vector<16xf32>
        %jit3A_466 = arith.constant 0.000000e+00 : f32
        %broadcast_in_dim3A_467 = vector.broadcast %jit3A_466 : f32 to vector<16xf32>
        %select_n3A_468 = arith.select %eq3A_458, %broadcast_in_dim3A_467, %abs3A_465 : vector<16xi1>, vector<16xf32>
        %add3A_469 = arith.addf %add3A_437, %select_n3A_468 : vector<16xf32>
        %jit3A_470 = arith.constant 1.000000e+00 : f32
        %jit3A_471 = arith.constant 0.000000e+00 : f32
        %broadcast_in_dim3A_472 = vector.broadcast %jit3A_470 : f32 to vector<16xf32>
        %broadcast_in_dim3A_473 = vector.broadcast %jit3A_471 : f32 to vector<16xf32>
        %select_n3A_474 = arith.select %eq3A_458, %broadcast_in_dim3A_472, %broadcast_in_dim3A_473 : vector<16xi1>, vector<16xf32>
        %add3A_475 = arith.addf %add3A_443, %select_n3A_474 : vector<16xf32>
        %get3A_476 = arith.constant 0 : i32
        %get3A_477 = arith.index_cast %get3A_476 : i32 to index
        %get3A_478 = arith.index_cast %scan3A_378 : i32 to index
        %get3A_479 = arith.constant 48 : index
        %get3A_480 = tpu.vector_load %arg5[%get3A_477, %get3A_478, %get3A_479] {strides = array<i32>} : memref<2x112x224xf32, #tpu.memory_space<vmem>>, vector<1x1x16xf32>,
        %get3A_481 = vector.shape_cast %get3A_480 : vector<1x1x16xf32> to vector<16xf32>
        %get3A_482 = arith.constant 0 : i32
        %get3A_483 = arith.index_cast %get3A_482 : i32 to index
        %get3A_484 = arith.index_cast %scan3A_378 : i32 to index
        %get3A_485 = arith.constant 48 : index
        %get3A_486 = tpu.vector_load %arg6[%get3A_483, %get3A_484, %get3A_485] {strides = array<i32>} : memref<2x112x224xf32, #tpu.memory_space<vmem>>, vector<1x1x16xf32>,
        %get3A_487 = vector.shape_cast %get3A_486 : vector<1x1x16xf32> to vector<16xf32>
        %eq3A_488 = arith.constant 0.000000e+00 : f32
        %eq3A_489 = vector.broadcast %eq3A_488 : f32 to vector<16xf32>
        %eq3A_490 = arith.cmpf oeq, %get3A_487, %eq3A_489 : vector<16xf32>
        %sub3A_491 = arith.subf %get3A_481, %get3A_487 : vector<16xf32>
        %mul3A_492 = arith.mulf %sub3A_491, %sub3A_491 : vector<16xf32>
        %jit3A_493 = arith.constant 0.000000e+00 : f32
        %broadcast_in_dim3A_494 = vector.broadcast %jit3A_493 : f32 to vector<16xf32>
        %select_n3A_495 = arith.select %eq3A_490, %mul3A_492, %broadcast_in_dim3A_494 : vector<16xi1>, vector<16xf32>
        %add3A_496 = arith.addf %add3A_464, %select_n3A_495 : vector<16xf32>
        %abs3A_497 = math.absf %sub3A_491 : vector<16xf32>
        %jit3A_498 = arith.constant 0.000000e+00 : f32
        %broadcast_in_dim3A_499 = vector.broadcast %jit3A_498 : f32 to vector<16xf32>
        %select_n3A_500 = arith.select %eq3A_490, %broadcast_in_dim3A_499, %abs3A_497 : vector<16xi1>, vector<16xf32>
        %add3A_501 = arith.addf %add3A_469, %select_n3A_500 : vector<16xf32>
        %jit3A_502 = arith.constant 1.000000e+00 : f32
        %jit3A_503 = arith.constant 0.000000e+00 : f32
        %broadcast_in_dim3A_504 = vector.broadcast %jit3A_502 : f32 to vector<16xf32>
        %broadcast_in_dim3A_505 = vector.broadcast %jit3A_503 : f32 to vector<16xf32>
        %select_n3A_506 = arith.select %eq3A_490, %broadcast_in_dim3A_504, %broadcast_in_dim3A_505 : vector<16xi1>, vector<16xf32>
        %add3A_507 = arith.addf %add3A_475, %select_n3A_506 : vector<16xf32>
        %get3A_508 = arith.constant 0 : i32
        %get3A_509 = arith.index_cast %get3A_508 : i32 to index
        %get3A_510 = arith.index_cast %scan3A_378 : i32 to index
        %get3A_511 = arith.constant 64 : index
        %get3A_512 = tpu.vector_load %arg5[%get3A_509, %get3A_510, %get3A_511] {strides = array<i32>} : memref<2x112x224xf32, #tpu.memory_space<vmem>>, vector<1x1x16xf32>,
        %get3A_513 = vector.shape_cast %get3A_512 : vector<1x1x16xf32> to vector<16xf32>
        %get3A_514 = arith.constant 0 : i32
        %get3A_515 = arith.index_cast %get3A_514 : i32 to index
        %get3A_516 = arith.index_cast %scan3A_378 : i32 to index
        %get3A_517 = arith.constant 64 : index
        %get3A_518 = tpu.vector_load %arg6[%get3A_515, %get3A_516, %get3A_517] {strides = array<i32>} : memref<2x112x224xf32, #tpu.memory_space<vmem>>, vector<1x1x16xf32>,
        %get3A_519 = vector.shape_cast %get3A_518 : vector<1x1x16xf32> to vector<16xf32>
        %eq3A_520 = arith.constant 0.000000e+00 : f32
        %eq3A_521 = vector.broadcast %eq3A_520 : f32 to vector<16xf32>
        %eq3A_522 = arith.cmpf oeq, %get3A_519, %eq3A_521 : vector<16xf32>
        %sub3A_523 = arith.subf %get3A_513, %get3A_519 : vector<16xf32>
        %mul3A_524 = arith.mulf %sub3A_523, %sub3A_523 : vector<16xf32>
        %jit3A_525 = arith.constant 0.000000e+00 : f32
        %broadcast_in_dim3A_526 = vector.broadcast %jit3A_525 : f32 to vector<16xf32>
        %select_n3A_527 = arith.select %eq3A_522, %mul3A_524, %broadcast_in_dim3A_526 : vector<16xi1>, vector<16xf32>
        %add3A_528 = arith.addf %add3A_496, %select_n3A_527 : vector<16xf32>
        %abs3A_529 = math.absf %sub3A_523 : vector<16xf32>
        %jit3A_530 = arith.constant 0.000000e+00 : f32
        %broadcast_in_dim3A_531 = vector.broadcast %jit3A_530 : f32 to vector<16xf32>
        %select_n3A_532 = arith.select %eq3A_522, %broadcast_in_dim3A_531, %abs3A_529 : vector<16xi1>, vector<16xf32>
        %add3A_533 = arith.addf %add3A_501, %select_n3A_532 : vector<16xf32>
        %jit3A_534 = arith.constant 1.000000e+00 : f32
        %jit3A_535 = arith.constant 0.000000e+00 : f32
        %broadcast_in_dim3A_536 = vector.broadcast %jit3A_534 : f32 to vector<16xf32>
        %broadcast_in_dim3A_537 = vector.broadcast %jit3A_535 : f32 to vector<16xf32>
        %select_n3A_538 = arith.select %eq3A_522, %broadcast_in_dim3A_536, %broadcast_in_dim3A_537 : vector<16xi1>, vector<16xf32>
        %add3A_539 = arith.addf %add3A_507, %select_n3A_538 : vector<16xf32>
        %get3A_540 = arith.constant 0 : i32
        %get3A_541 = arith.index_cast %get3A_540 : i32 to index
        %get3A_542 = arith.index_cast %scan3A_378 : i32 to index
        %get3A_543 = arith.constant 80 : index
        %get3A_544 = tpu.vector_load %arg5[%get3A_541, %get3A_542, %get3A_543] {strides = array<i32>} : memref<2x112x224xf32, #tpu.memory_space<vmem>>, vector<1x1x16xf32>,
        %get3A_545 = vector.shape_cast %get3A_544 : vector<1x1x16xf32> to vector<16xf32>
        %get3A_546 = arith.constant 0 : i32
        %get3A_547 = arith.index_cast %get3A_546 : i32 to index
        %get3A_548 = arith.index_cast %scan3A_378 : i32 to index
        %get3A_549 = arith.constant 80 : index
        %get3A_550 = tpu.vector_load %arg6[%get3A_547, %get3A_548, %get3A_549] {strides = array<i32>} : memref<2x112x224xf32, #tpu.memory_space<vmem>>, vector<1x1x16xf32>,
        %get3A_551 = vector.shape_cast %get3A_550 : vector<1x1x16xf32> to vector<16xf32>
        %eq3A_552 = arith.constant 0.000000e+00 : f32
        %eq3A_553 = vector.broadcast %eq3A_552 : f32 to vector<16xf32>
        %eq3A_554 = arith.cmpf oeq, %get3A_551, %eq3A_553 : vector<16xf32>
        %sub3A_555 = arith.subf %get3A_545, %get3A_551 : vector<16xf32>
        %mul3A_556 = arith.mulf %sub3A_555, %sub3A_555 : vector<16xf32>
        %jit3A_557 = arith.constant 0.000000e+00 : f32
        %broadcast_in_dim3A_558 = vector.broadcast %jit3A_557 : f32 to vector<16xf32>
        %select_n3A_559 = arith.select %eq3A_554, %mul3A_556, %broadcast_in_dim3A_558 : vector<16xi1>, vector<16xf32>
        %add3A_560 = arith.addf %add3A_528, %select_n3A_559 : vector<16xf32>
        %abs3A_561 = math.absf %sub3A_555 : vector<16xf32>
        %jit3A_562 = arith.constant 0.000000e+00 : f32
        %broadcast_in_dim3A_563 = vector.broadcast %jit3A_562 : f32 to vector<16xf32>
        %select_n3A_564 = arith.select %eq3A_554, %broadcast_in_dim3A_563, %abs3A_561 : vector<16xi1>, vector<16xf32>
        %add3A_565 = arith.addf %add3A_533, %select_n3A_564 : vector<16xf32>
        %jit3A_566 = arith.constant 1.000000e+00 : f32
        %jit3A_567 = arith.constant 0.000000e+00 : f32
        %broadcast_in_dim3A_568 = vector.broadcast %jit3A_566 : f32 to vector<16xf32>
        %broadcast_in_dim3A_569 = vector.broadcast %jit3A_567 : f32 to vector<16xf32>
        %select_n3A_570 = arith.select %eq3A_554, %broadcast_in_dim3A_568, %broadcast_in_dim3A_569 : vector<16xi1>, vector<16xf32>
        %add3A_571 = arith.addf %add3A_539, %select_n3A_570 : vector<16xf32>
        %get3A_572 = arith.constant 0 : i32
        %get3A_573 = arith.index_cast %get3A_572 : i32 to index
        %get3A_574 = arith.index_cast %scan3A_378 : i32 to index
        %get3A_575 = arith.constant 96 : index
        %get3A_576 = tpu.vector_load %arg5[%get3A_573, %get3A_574, %get3A_575] {strides = array<i32>} : memref<2x112x224xf32, #tpu.memory_space<vmem>>, vector<1x1x16xf32>,
        %get3A_577 = vector.shape_cast %get3A_576 : vector<1x1x16xf32> to vector<16xf32>
        %get3A_578 = arith.constant 0 : i32
        %get3A_579 = arith.index_cast %get3A_578 : i32 to index
        %get3A_580 = arith.index_cast %scan3A_378 : i32 to index
        %get3A_581 = arith.constant 96 : index
        %get3A_582 = tpu.vector_load %arg6[%get3A_579, %get3A_580, %get3A_581] {strides = array<i32>} : memref<2x112x224xf32, #tpu.memory_space<vmem>>, vector<1x1x16xf32>,
        %get3A_583 = vector.shape_cast %get3A_582 : vector<1x1x16xf32> to vector<16xf32>
        %eq3A_584 = arith.constant 0.000000e+00 : f32
        %eq3A_585 = vector.broadcast %eq3A_584 : f32 to vector<16xf32>
        %eq3A_586 = arith.cmpf oeq, %get3A_583, %eq3A_585 : vector<16xf32>
        %sub3A_587 = arith.subf %get3A_577, %get3A_583 : vector<16xf32>
        %mul3A_588 = arith.mulf %sub3A_587, %sub3A_587 : vector<16xf32>
        %jit3A_589 = arith.constant 0.000000e+00 : f32
        %broadcast_in_dim3A_590 = vector.broadcast %jit3A_589 : f32 to vector<16xf32>
        %select_n3A_591 = arith.select %eq3A_586, %mul3A_588, %broadcast_in_dim3A_590 : vector<16xi1>, vector<16xf32>
        %add3A_592 = arith.addf %add3A_560, %select_n3A_591 : vector<16xf32>
        %abs3A_593 = math.absf %sub3A_587 : vector<16xf32>
        %jit3A_594 = arith.constant 0.000000e+00 : f32
        %broadcast_in_dim3A_595 = vector.broadcast %jit3A_594 : f32 to vector<16xf32>
        %select_n3A_596 = arith.select %eq3A_586, %broadcast_in_dim3A_595, %abs3A_593 : vector<16xi1>, vector<16xf32>
        %add3A_597 = arith.addf %add3A_565, %select_n3A_596 : vector<16xf32>
        %jit3A_598 = arith.constant 1.000000e+00 : f32
        %jit3A_599 = arith.constant 0.000000e+00 : f32
        %broadcast_in_dim3A_600 = vector.broadcast %jit3A_598 : f32 to vector<16xf32>
        %broadcast_in_dim3A_601 = vector.broadcast %jit3A_599 : f32 to vector<16xf32>
        %select_n3A_602 = arith.select %eq3A_586, %broadcast_in_dim3A_600, %broadcast_in_dim3A_601 : vector<16xi1>, vector<16xf32>
        %add3A_603 = arith.addf %add3A_571, %select_n3A_602 : vector<16xf32>
        %get3A_604 = arith.constant 0 : i32
        %get3A_605 = arith.index_cast %get3A_604 : i32 to index
        %get3A_606 = arith.index_cast %scan3A_378 : i32 to index
        %get3A_607 = arith.constant 112 : index
        %get3A_608 = tpu.vector_load %arg5[%get3A_605, %get3A_606, %get3A_607] {strides = array<i32>} : memref<2x112x224xf32, #tpu.memory_space<vmem>>, vector<1x1x16xf32>,
        %get3A_609 = vector.shape_cast %get3A_608 : vector<1x1x16xf32> to vector<16xf32>
        %get3A_610 = arith.constant 0 : i32
        %get3A_611 = arith.index_cast %get3A_610 : i32 to index
        %get3A_612 = arith.index_cast %scan3A_378 : i32 to index
        %get3A_613 = arith.constant 112 : index
        %get3A_614 = tpu.vector_load %arg6[%get3A_611, %get3A_612, %get3A_613] {strides = array<i32>} : memref<2x112x224xf32, #tpu.memory_space<vmem>>, vector<1x1x16xf32>,
        %get3A_615 = vector.shape_cast %get3A_614 : vector<1x1x16xf32> to vector<16xf32>
        %eq3A_616 = arith.constant 0.000000e+00 : f32
        %eq3A_617 = vector.broadcast %eq3A_616 : f32 to vector<16xf32>
        %eq3A_618 = arith.cmpf oeq, %get3A_615, %eq3A_617 : vector<16xf32>
        %sub3A_619 = arith.subf %get3A_609, %get3A_615 : vector<16xf32>
        %mul3A_620 = arith.mulf %sub3A_619, %sub3A_619 : vector<16xf32>
        %jit3A_621 = arith.constant 0.000000e+00 : f32
        %broadcast_in_dim3A_622 = vector.broadcast %jit3A_621 : f32 to vector<16xf32>
        %select_n3A_623 = arith.select %eq3A_618, %mul3A_620, %broadcast_in_dim3A_622 : vector<16xi1>, vector<16xf32>
        %add3A_624 = arith.addf %add3A_592, %select_n3A_623 : vector<16xf32>
        %abs3A_625 = math.absf %sub3A_619 : vector<16xf32>
        %jit3A_626 = arith.constant 0.000000e+00 : f32
        %broadcast_in_dim3A_627 = vector.broadcast %jit3A_626 : f32 to vector<16xf32>
        %select_n3A_628 = arith.select %eq3A_618, %broadcast_in_dim3A_627, %abs3A_625 : vector<16xi1>, vector<16xf32>
        %add3A_629 = arith.addf %add3A_597, %select_n3A_628 : vector<16xf32>
        %jit3A_630 = arith.constant 1.000000e+00 : f32
        %jit3A_631 = arith.constant 0.000000e+00 : f32
        %broadcast_in_dim3A_632 = vector.broadcast %jit3A_630 : f32 to vector<16xf32>
        %broadcast_in_dim3A_633 = vector.broadcast %jit3A_631 : f32 to vector<16xf32>
        %select_n3A_634 = arith.select %eq3A_618, %broadcast_in_dim3A_632, %broadcast_in_dim3A_633 : vector<16xi1>, vector<16xf32>
        %add3A_635 = arith.addf %add3A_603, %select_n3A_634 : vector<16xf32>
        %get3A_636 = arith.constant 0 : i32
        %get3A_637 = arith.index_cast %get3A_636 : i32 to index
        %get3A_638 = arith.index_cast %scan3A_378 : i32 to index
        %get3A_639 = arith.constant 128 : index
        %get3A_640 = tpu.vector_load %arg5[%get3A_637, %get3A_638, %get3A_639] {strides = array<i32>} : memref<2x112x224xf32, #tpu.memory_space<vmem>>, vector<1x1x16xf32>,
        %get3A_641 = vector.shape_cast %get3A_640 : vector<1x1x16xf32> to vector<16xf32>
        %get3A_642 = arith.constant 0 : i32
        %get3A_643 = arith.index_cast %get3A_642 : i32 to index
        %get3A_644 = arith.index_cast %scan3A_378 : i32 to index
        %get3A_645 = arith.constant 128 : index
        %get3A_646 = tpu.vector_load %arg6[%get3A_643, %get3A_644, %get3A_645] {strides = array<i32>} : memref<2x112x224xf32, #tpu.memory_space<vmem>>, vector<1x1x16xf32>,
        %get3A_647 = vector.shape_cast %get3A_646 : vector<1x1x16xf32> to vector<16xf32>
        %eq3A_648 = arith.constant 0.000000e+00 : f32
        %eq3A_649 = vector.broadcast %eq3A_648 : f32 to vector<16xf32>
        %eq3A_650 = arith.cmpf oeq, %get3A_647, %eq3A_649 : vector<16xf32>
        %sub3A_651 = arith.subf %get3A_641, %get3A_647 : vector<16xf32>
        %mul3A_652 = arith.mulf %sub3A_651, %sub3A_651 : vector<16xf32>
        %jit3A_653 = arith.constant 0.000000e+00 : f32
        %broadcast_in_dim3A_654 = vector.broadcast %jit3A_653 : f32 to vector<16xf32>
        %select_n3A_655 = arith.select %eq3A_650, %mul3A_652, %broadcast_in_dim3A_654 : vector<16xi1>, vector<16xf32>
        %add3A_656 = arith.addf %add3A_624, %select_n3A_655 : vector<16xf32>
        %abs3A_657 = math.absf %sub3A_651 : vector<16xf32>
        %jit3A_658 = arith.constant 0.000000e+00 : f32
        %broadcast_in_dim3A_659 = vector.broadcast %jit3A_658 : f32 to vector<16xf32>
        %select_n3A_660 = arith.select %eq3A_650, %broadcast_in_dim3A_659, %abs3A_657 : vector<16xi1>, vector<16xf32>
        %add3A_661 = arith.addf %add3A_629, %select_n3A_660 : vector<16xf32>
        %jit3A_662 = arith.constant 1.000000e+00 : f32
        %jit3A_663 = arith.constant 0.000000e+00 : f32
        %broadcast_in_dim3A_664 = vector.broadcast %jit3A_662 : f32 to vector<16xf32>
        %broadcast_in_dim3A_665 = vector.broadcast %jit3A_663 : f32 to vector<16xf32>
        %select_n3A_666 = arith.select %eq3A_650, %broadcast_in_dim3A_664, %broadcast_in_dim3A_665 : vector<16xi1>, vector<16xf32>
        %add3A_667 = arith.addf %add3A_635, %select_n3A_666 : vector<16xf32>
        %get3A_668 = arith.constant 0 : i32
        %get3A_669 = arith.index_cast %get3A_668 : i32 to index
        %get3A_670 = arith.index_cast %scan3A_378 : i32 to index
        %get3A_671 = arith.constant 144 : index
        %get3A_672 = tpu.vector_load %arg5[%get3A_669, %get3A_670, %get3A_671] {strides = array<i32>} : memref<2x112x224xf32, #tpu.memory_space<vmem>>, vector<1x1x16xf32>,
        %get3A_673 = vector.shape_cast %get3A_672 : vector<1x1x16xf32> to vector<16xf32>
        %get3A_674 = arith.constant 0 : i32
        %get3A_675 = arith.index_cast %get3A_674 : i32 to index
        %get3A_676 = arith.index_cast %scan3A_378 : i32 to index
        %get3A_677 = arith.constant 144 : index
        %get3A_678 = tpu.vector_load %arg6[%get3A_675, %get3A_676, %get3A_677] {strides = array<i32>} : memref<2x112x224xf32, #tpu.memory_space<vmem>>, vector<1x1x16xf32>,
        %get3A_679 = vector.shape_cast %get3A_678 : vector<1x1x16xf32> to vector<16xf32>
        %eq3A_680 = arith.constant 0.000000e+00 : f32
        %eq3A_681 = vector.broadcast %eq3A_680 : f32 to vector<16xf32>
        %eq3A_682 = arith.cmpf oeq, %get3A_679, %eq3A_681 : vector<16xf32>
        %sub3A_683 = arith.subf %get3A_673, %get3A_679 : vector<16xf32>
        %mul3A_684 = arith.mulf %sub3A_683, %sub3A_683 : vector<16xf32>
        %jit3A_685 = arith.constant 0.000000e+00 : f32
        %broadcast_in_dim3A_686 = vector.broadcast %jit3A_685 : f32 to vector<16xf32>
        %select_n3A_687 = arith.select %eq3A_682, %mul3A_684, %broadcast_in_dim3A_686 : vector<16xi1>, vector<16xf32>
        %add3A_688 = arith.addf %add3A_656, %select_n3A_687 : vector<16xf32>
        %abs3A_689 = math.absf %sub3A_683 : vector<16xf32>
        %jit3A_690 = arith.constant 0.000000e+00 : f32
        %broadcast_in_dim3A_691 = vector.broadcast %jit3A_690 : f32 to vector<16xf32>
        %select_n3A_692 = arith.select %eq3A_682, %broadcast_in_dim3A_691, %abs3A_689 : vector<16xi1>, vector<16xf32>
        %add3A_693 = arith.addf %add3A_661, %select_n3A_692 : vector<16xf32>
        %jit3A_694 = arith.constant 1.000000e+00 : f32
        %jit3A_695 = arith.constant 0.000000e+00 : f32
        %broadcast_in_dim3A_696 = vector.broadcast %jit3A_694 : f32 to vector<16xf32>
        %broadcast_in_dim3A_697 = vector.broadcast %jit3A_695 : f32 to vector<16xf32>
        %select_n3A_698 = arith.select %eq3A_682, %broadcast_in_dim3A_696, %broadcast_in_dim3A_697 : vector<16xi1>, vector<16xf32>
        %add3A_699 = arith.addf %add3A_667, %select_n3A_698 : vector<16xf32>
        %get3A_700 = arith.constant 0 : i32
        %get3A_701 = arith.index_cast %get3A_700 : i32 to index
        %get3A_702 = arith.index_cast %scan3A_378 : i32 to index
        %get3A_703 = arith.constant 160 : index
        %get3A_704 = tpu.vector_load %arg5[%get3A_701, %get3A_702, %get3A_703] {strides = array<i32>} : memref<2x112x224xf32, #tpu.memory_space<vmem>>, vector<1x1x16xf32>,
        %get3A_705 = vector.shape_cast %get3A_704 : vector<1x1x16xf32> to vector<16xf32>
        %get3A_706 = arith.constant 0 : i32
        %get3A_707 = arith.index_cast %get3A_706 : i32 to index
        %get3A_708 = arith.index_cast %scan3A_378 : i32 to index
        %get3A_709 = arith.constant 160 : index
        %get3A_710 = tpu.vector_load %arg6[%get3A_707, %get3A_708, %get3A_709] {strides = array<i32>} : memref<2x112x224xf32, #tpu.memory_space<vmem>>, vector<1x1x16xf32>,
        %get3A_711 = vector.shape_cast %get3A_710 : vector<1x1x16xf32> to vector<16xf32>
        %eq3A_712 = arith.constant 0.000000e+00 : f32
        %eq3A_713 = vector.broadcast %eq3A_712 : f32 to vector<16xf32>
        %eq3A_714 = arith.cmpf oeq, %get3A_711, %eq3A_713 : vector<16xf32>
        %sub3A_715 = arith.subf %get3A_705, %get3A_711 : vector<16xf32>
        %mul3A_716 = arith.mulf %sub3A_715, %sub3A_715 : vector<16xf32>
        %jit3A_717 = arith.constant 0.000000e+00 : f32
        %broadcast_in_dim3A_718 = vector.broadcast %jit3A_717 : f32 to vector<16xf32>
        %select_n3A_719 = arith.select %eq3A_714, %mul3A_716, %broadcast_in_dim3A_718 : vector<16xi1>, vector<16xf32>
        %add3A_720 = arith.addf %add3A_688, %select_n3A_719 : vector<16xf32>
        %abs3A_721 = math.absf %sub3A_715 : vector<16xf32>
        %jit3A_722 = arith.constant 0.000000e+00 : f32
        %broadcast_in_dim3A_723 = vector.broadcast %jit3A_722 : f32 to vector<16xf32>
        %select_n3A_724 = arith.select %eq3A_714, %broadcast_in_dim3A_723, %abs3A_721 : vector<16xi1>, vector<16xf32>
        %add3A_725 = arith.addf %add3A_693, %select_n3A_724 : vector<16xf32>
        %jit3A_726 = arith.constant 1.000000e+00 : f32
        %jit3A_727 = arith.constant 0.000000e+00 : f32
        %broadcast_in_dim3A_728 = vector.broadcast %jit3A_726 : f32 to vector<16xf32>
        %broadcast_in_dim3A_729 = vector.broadcast %jit3A_727 : f32 to vector<16xf32>
        %select_n3A_730 = arith.select %eq3A_714, %broadcast_in_dim3A_728, %broadcast_in_dim3A_729 : vector<16xi1>, vector<16xf32>
        %add3A_731 = arith.addf %add3A_699, %select_n3A_730 : vector<16xf32>
        %get3A_732 = arith.constant 0 : i32
        %get3A_733 = arith.index_cast %get3A_732 : i32 to index
        %get3A_734 = arith.index_cast %scan3A_378 : i32 to index
        %get3A_735 = arith.constant 176 : index
        %get3A_736 = tpu.vector_load %arg5[%get3A_733, %get3A_734, %get3A_735] {strides = array<i32>} : memref<2x112x224xf32, #tpu.memory_space<vmem>>, vector<1x1x16xf32>,
        %get3A_737 = vector.shape_cast %get3A_736 : vector<1x1x16xf32> to vector<16xf32>
        %get3A_738 = arith.constant 0 : i32
        %get3A_739 = arith.index_cast %get3A_738 : i32 to index
        %get3A_740 = arith.index_cast %scan3A_378 : i32 to index
        %get3A_741 = arith.constant 176 : index
        %get3A_742 = tpu.vector_load %arg6[%get3A_739, %get3A_740, %get3A_741] {strides = array<i32>} : memref<2x112x224xf32, #tpu.memory_space<vmem>>, vector<1x1x16xf32>,
        %get3A_743 = vector.shape_cast %get3A_742 : vector<1x1x16xf32> to vector<16xf32>
        %eq3A_744 = arith.constant 0.000000e+00 : f32
        %eq3A_745 = vector.broadcast %eq3A_744 : f32 to vector<16xf32>
        %eq3A_746 = arith.cmpf oeq, %get3A_743, %eq3A_745 : vector<16xf32>
        %sub3A_747 = arith.subf %get3A_737, %get3A_743 : vector<16xf32>
        %mul3A_748 = arith.mulf %sub3A_747, %sub3A_747 : vector<16xf32>
        %jit3A_749 = arith.constant 0.000000e+00 : f32
        %broadcast_in_dim3A_750 = vector.broadcast %jit3A_749 : f32 to vector<16xf32>
        %select_n3A_751 = arith.select %eq3A_746, %mul3A_748, %broadcast_in_dim3A_750 : vector<16xi1>, vector<16xf32>
        %add3A_752 = arith.addf %add3A_720, %select_n3A_751 : vector<16xf32>
        %abs3A_753 = math.absf %sub3A_747 : vector<16xf32>
        %jit3A_754 = arith.constant 0.000000e+00 : f32
        %broadcast_in_dim3A_755 = vector.broadcast %jit3A_754 : f32 to vector<16xf32>
        %select_n3A_756 = arith.select %eq3A_746, %broadcast_in_dim3A_755, %abs3A_753 : vector<16xi1>, vector<16xf32>
        %add3A_757 = arith.addf %add3A_725, %select_n3A_756 : vector<16xf32>
        %jit3A_758 = arith.constant 1.000000e+00 : f32
        %jit3A_759 = arith.constant 0.000000e+00 : f32
        %broadcast_in_dim3A_760 = vector.broadcast %jit3A_758 : f32 to vector<16xf32>
        %broadcast_in_dim3A_761 = vector.broadcast %jit3A_759 : f32 to vector<16xf32>
        %select_n3A_762 = arith.select %eq3A_746, %broadcast_in_dim3A_760, %broadcast_in_dim3A_761 : vector<16xi1>, vector<16xf32>
        %add3A_763 = arith.addf %add3A_731, %select_n3A_762 : vector<16xf32>
        %get3A_764 = arith.constant 0 : i32
        %get3A_765 = arith.index_cast %get3A_764 : i32 to index
        %get3A_766 = arith.index_cast %scan3A_378 : i32 to index
        %get3A_767 = arith.constant 192 : index
        %get3A_768 = tpu.vector_load %arg5[%get3A_765, %get3A_766, %get3A_767] {strides = array<i32>} : memref<2x112x224xf32, #tpu.memory_space<vmem>>, vector<1x1x16xf32>,
        %get3A_769 = vector.shape_cast %get3A_768 : vector<1x1x16xf32> to vector<16xf32>
        %get3A_770 = arith.constant 0 : i32
        %get3A_771 = arith.index_cast %get3A_770 : i32 to index
        %get3A_772 = arith.index_cast %scan3A_378 : i32 to index
        %get3A_773 = arith.constant 192 : index
        %get3A_774 = tpu.vector_load %arg6[%get3A_771, %get3A_772, %get3A_773] {strides = array<i32>} : memref<2x112x224xf32, #tpu.memory_space<vmem>>, vector<1x1x16xf32>,
        %get3A_775 = vector.shape_cast %get3A_774 : vector<1x1x16xf32> to vector<16xf32>
        %eq3A_776 = arith.constant 0.000000e+00 : f32
        %eq3A_777 = vector.broadcast %eq3A_776 : f32 to vector<16xf32>
        %eq3A_778 = arith.cmpf oeq, %get3A_775, %eq3A_777 : vector<16xf32>
        %sub3A_779 = arith.subf %get3A_769, %get3A_775 : vector<16xf32>
        %mul3A_780 = arith.mulf %sub3A_779, %sub3A_779 : vector<16xf32>
        %jit3A_781 = arith.constant 0.000000e+00 : f32
        %broadcast_in_dim3A_782 = vector.broadcast %jit3A_781 : f32 to vector<16xf32>
        %select_n3A_783 = arith.select %eq3A_778, %mul3A_780, %broadcast_in_dim3A_782 : vector<16xi1>, vector<16xf32>
        %add3A_784 = arith.addf %add3A_752, %select_n3A_783 : vector<16xf32>
        %abs3A_785 = math.absf %sub3A_779 : vector<16xf32>
        %jit3A_786 = arith.constant 0.000000e+00 : f32
        %broadcast_in_dim3A_787 = vector.broadcast %jit3A_786 : f32 to vector<16xf32>
        %select_n3A_788 = arith.select %eq3A_778, %broadcast_in_dim3A_787, %abs3A_785 : vector<16xi1>, vector<16xf32>
        %add3A_789 = arith.addf %add3A_757, %select_n3A_788 : vector<16xf32>
        %jit3A_790 = arith.constant 1.000000e+00 : f32
        %jit3A_791 = arith.constant 0.000000e+00 : f32
        %broadcast_in_dim3A_792 = vector.broadcast %jit3A_790 : f32 to vector<16xf32>
        %broadcast_in_dim3A_793 = vector.broadcast %jit3A_791 : f32 to vector<16xf32>
        %select_n3A_794 = arith.select %eq3A_778, %broadcast_in_dim3A_792, %broadcast_in_dim3A_793 : vector<16xi1>, vector<16xf32>
        %add3A_795 = arith.addf %add3A_763, %select_n3A_794 : vector<16xf32>
        %get3A_796 = arith.constant 0 : i32
        %get3A_797 = arith.index_cast %get3A_796 : i32 to index
        %get3A_798 = arith.index_cast %scan3A_378 : i32 to index
        %get3A_799 = arith.constant 208 : index
        %get3A_800 = tpu.vector_load %arg5[%get3A_797, %get3A_798, %get3A_799] {strides = array<i32>} : memref<2x112x224xf32, #tpu.memory_space<vmem>>, vector<1x1x16xf32>,
        %get3A_801 = vector.shape_cast %get3A_800 : vector<1x1x16xf32> to vector<16xf32>
        %get3A_802 = arith.constant 0 : i32
        %get3A_803 = arith.index_cast %get3A_802 : i32 to index
        %get3A_804 = arith.index_cast %scan3A_378 : i32 to index
        %get3A_805 = arith.constant 208 : index
        %get3A_806 = tpu.vector_load %arg6[%get3A_803, %get3A_804, %get3A_805] {strides = array<i32>} : memref<2x112x224xf32, #tpu.memory_space<vmem>>, vector<1x1x16xf32>,
        %get3A_807 = vector.shape_cast %get3A_806 : vector<1x1x16xf32> to vector<16xf32>
        %eq3A_808 = arith.constant 0.000000e+00 : f32
        %eq3A_809 = vector.broadcast %eq3A_808 : f32 to vector<16xf32>
        %eq3A_810 = arith.cmpf oeq, %get3A_807, %eq3A_809 : vector<16xf32>
        %sub3A_811 = arith.subf %get3A_801, %get3A_807 : vector<16xf32>
        %mul3A_812 = arith.mulf %sub3A_811, %sub3A_811 : vector<16xf32>
        %jit3A_813 = arith.constant 0.000000e+00 : f32
        %broadcast_in_dim3A_814 = vector.broadcast %jit3A_813 : f32 to vector<16xf32>
        %select_n3A_815 = arith.select %eq3A_810, %mul3A_812, %broadcast_in_dim3A_814 : vector<16xi1>, vector<16xf32>
        %add3A_816 = arith.addf %add3A_784, %select_n3A_815 : vector<16xf32>
        %abs3A_817 = math.absf %sub3A_811 : vector<16xf32>
        %jit3A_818 = arith.constant 0.000000e+00 : f32
        %broadcast_in_dim3A_819 = vector.broadcast %jit3A_818 : f32 to vector<16xf32>
        %select_n3A_820 = arith.select %eq3A_810, %broadcast_in_dim3A_819, %abs3A_817 : vector<16xi1>, vector<16xf32>
        %add3A_821 = arith.addf %add3A_789, %select_n3A_820 : vector<16xf32>
        %jit3A_822 = arith.constant 1.000000e+00 : f32
        %jit3A_823 = arith.constant 0.000000e+00 : f32
        %broadcast_in_dim3A_824 = vector.broadcast %jit3A_822 : f32 to vector<16xf32>
        %broadcast_in_dim3A_825 = vector.broadcast %jit3A_823 : f32 to vector<16xf32>
        %select_n3A_826 = arith.select %eq3A_810, %broadcast_in_dim3A_824, %broadcast_in_dim3A_825 : vector<16xi1>, vector<16xf32>
        %add3A_827 = arith.addf %add3A_795, %select_n3A_826 : vector<16xf32>
        scf.yield %add3A_816, %add3A_821, %add3A_827 : vector<16xf32>, vector<16xf32>, vector<16xf32>
      }
      %scan3A_240 = arith.constant 112 : i32
      %add3A_241 = arith.constant 1 : i32
      %add3A_242 = arith.addi %mul3A_118, %add3A_241 : i32
      %jit3A_243 = arith.constant 2 : i32
      %div3A_244 = arith.divsi %add3A_242, %jit3A_243 : i32
      %sign3A_245 = arith.constant 0 : i32
      %sign3A_246 = arith.cmpi sgt, %add3A_242, %sign3A_245 : i32
      %sign3A_247 = arith.extui %sign3A_246 : i1 to i32
      %sign3A_248 = arith.constant 0 : i32
      %sign3A_249 = arith.cmpi slt, %add3A_242, %sign3A_248 : i32
      %sign3A_250 = arith.extui %sign3A_249 : i1 to i32
      %sign3A_251 = arith.subi %sign3A_247, %sign3A_250 : i32
      %sign3A_252 = arith.constant 0 : i32
      %sign3A_253 = arith.cmpi sgt, %jit3A_243, %sign3A_252 : i32
      %sign3A_254 = arith.extui %sign3A_253 : i1 to i32
      %sign3A_255 = arith.constant 0 : i32
      %sign3A_256 = arith.cmpi slt, %jit3A_243, %sign3A_255 : i32
      %sign3A_257 = arith.extui %sign3A_256 : i1 to i32
      %sign3A_258 = arith.subi %sign3A_254, %sign3A_257 : i32
      %ne3A_259 = arith.cmpi ne, %sign3A_251, %sign3A_258 : i32
      %rem3A_260 = arith.remsi %add3A_242, %jit3A_243 : i32
      %ne3A_261 = arith.constant 0 : i32
      %ne3A_262 = arith.cmpi ne, %rem3A_260, %ne3A_261 : i32
      %and3A_263 = arith.andi %ne3A_259, %ne3A_262 : i1
      %sub3A_264 = arith.constant 1 : i32
      %sub3A_265 = arith.subi %div3A_244, %sub3A_264 : i32
      %select_n3A_266 = arith.select %and3A_263, %sub3A_265, %div3A_244 : i32
      %add3A_267 = arith.addi %mul3A_2, %select_n3A_266 : i32
      %jit3A_268 = arith.constant 2 : i32
      %eq3A_269 = arith.constant 0 : i32
      %eq3A_270 = arith.cmpi eq, %jit3A_268, %eq3A_269 : i32
      %jit3A_271 = arith.constant 1 : i32
      %select_n3A_272 = arith.select %eq3A_270, %jit3A_271, %jit3A_268 : i32
      %rem3A_273 = arith.remsi %add3A_242, %select_n3A_272 : i32
      %ne3A_274 = arith.constant 0 : i32
      %ne3A_275 = arith.cmpi ne, %rem3A_273, %ne3A_274 : i32
      %lt3A_276 = arith.constant 0 : i32
      %lt3A_277 = arith.cmpi slt, %rem3A_273, %lt3A_276 : i32
      %lt3A_278 = arith.constant 0 : i32
      %lt3A_279 = arith.cmpi slt, %select_n3A_272, %lt3A_278 : i32
      %ne3A_280 = arith.xori %lt3A_277, %lt3A_279 : i1
      %and3A_281 = arith.andi %ne3A_280, %ne3A_275 : i1
      %add3A_282 = arith.addi %rem3A_273, %select_n3A_272 : i32
      %select_n3A_283 = arith.select %and3A_281, %add3A_282, %rem3A_273 : i32
      %mul3A_284 = arith.constant 112 : i32
      %mul3A_285 = arith.muli %select_n3A_283, %mul3A_284 : i32
      %dma_wait3A_286 = arith.constant 1 : i32
      %dma_wait3A_287 = arith.constant 1 : i32
      %dma_wait3A_288 = arith.constant 0 : i32
      %dma_wait3A_289 = arith.constant 0 : i32
      %dma_wait3A_290 = tpu.memref_slice %arg5[%dma_wait3A_286, %dma_wait3A_288, %dma_wait3A_289] : memref<2x112x224xf32, #tpu.memory_space<vmem>> -> memref<1x112x224xf32, #tpu.memory_space<vmem>>
      %dma_wait3A_291 = tpu.memref_squeeze %dma_wait3A_290 : memref<1x112x224xf32, #tpu.memory_space<vmem>> -> memref<112x224xf32, #tpu.memory_space<vmem>>
      %dma_wait3A_292 = arith.constant 0 : i32
      %dma_wait3A_293 = tpu.memref_slice %arg2[%add3A_267, %mul3A_285, %dma_wait3A_292] : memref<384x224x224xf32, #tpu.memory_space<hbm>> -> memref<1x112x224xf32, #tpu.memory_space<hbm>>
      %dma_wait3A_294 = tpu.memref_squeeze %dma_wait3A_293 : memref<1x112x224xf32, #tpu.memory_space<hbm>> -> memref<112x224xf32, #tpu.memory_space<hbm>>
      %dma_wait3A_295 = tpu.memref_slice %arg8[%dma_wait3A_287] : memref<2x!tpu.dma_semaphore, #tpu.memory_space<semaphore_mem>> -> memref<1x!tpu.dma_semaphore, #tpu.memory_space<semaphore_mem>>
      %dma_wait3A_296 = tpu.memref_squeeze %dma_wait3A_295 : memref<1x!tpu.dma_semaphore, #tpu.memory_space<semaphore_mem>> -> memref<!tpu.dma_semaphore, #tpu.memory_space<semaphore_mem>>
      %dma_wait3A_297 = arith.constant 0 : i32
      %dma_wait3A_298 = arith.constant 0 : i32
      %dma_wait3A_299 = tpu.memref_slice %arg5[%dma_wait3A_286, %dma_wait3A_297, %dma_wait3A_298] : memref<2x112x224xf32, #tpu.memory_space<vmem>> -> memref<1x112x224xf32, #tpu.memory_space<vmem>>
      %dma_wait3A_300 = tpu.memref_squeeze %dma_wait3A_299 : memref<1x112x224xf32, #tpu.memory_space<vmem>> -> memref<112x224xf32, #tpu.memory_space<vmem>>
      %dma_wait3A_301 = arith.constant 0 : i32
      %dma_wait3A_302 = tpu.memref_slice %arg2[%add3A_267, %mul3A_285, %dma_wait3A_301] : memref<384x224x224xf32, #tpu.memory_space<hbm>> -> memref<1x112x224xf32, #tpu.memory_space<hbm>>
      %dma_wait3A_303 = tpu.memref_squeeze %dma_wait3A_302 : memref<1x112x224xf32, #tpu.memory_space<hbm>> -> memref<112x224xf32, #tpu.memory_space<hbm>>
      tpu.wait_dma2 semaphore(%dma_wait3A_296 : memref<!tpu.dma_semaphore, #tpu.memory_space<semaphore_mem>>) src(%dma_wait3A_303 : memref<112x224xf32, #tpu.memory_space<hbm>>) dst(%dma_wait3A_300 : memref<112x224xf32, #tpu.memory_space<vmem>>)
      %jit3A_304 = arith.constant 2 : i32
      %div3A_305 = arith.divsi %add3A_242, %jit3A_304 : i32
      %sign3A_306 = arith.constant 0 : i32
      %sign3A_307 = arith.cmpi sgt, %add3A_242, %sign3A_306 : i32
      %sign3A_308 = arith.extui %sign3A_307 : i1 to i32
      %sign3A_309 = arith.constant 0 : i32
      %sign3A_310 = arith.cmpi slt, %add3A_242, %sign3A_309 : i32
      %sign3A_311 = arith.extui %sign3A_310 : i1 to i32
      %sign3A_312 = arith.subi %sign3A_308, %sign3A_311 : i32
      %sign3A_313 = arith.constant 0 : i32
      %sign3A_314 = arith.cmpi sgt, %jit3A_304, %sign3A_313 : i32
      %sign3A_315 = arith.extui %sign3A_314 : i1 to i32
      %sign3A_316 = arith.constant 0 : i32
      %sign3A_317 = arith.cmpi slt, %jit3A_304, %sign3A_316 : i32
      %sign3A_318 = arith.extui %sign3A_317 : i1 to i32
      %sign3A_319 = arith.subi %sign3A_315, %sign3A_318 : i32
      %ne3A_320 = arith.cmpi ne, %sign3A_312, %sign3A_319 : i32
      %rem3A_321 = arith.remsi %add3A_242, %jit3A_304 : i32
      %ne3A_322 = arith.constant 0 : i32
      %ne3A_323 = arith.cmpi ne, %rem3A_321, %ne3A_322 : i32
      %and3A_324 = arith.andi %ne3A_320, %ne3A_323 : i1
      %sub3A_325 = arith.constant 1 : i32
      %sub3A_326 = arith.subi %div3A_305, %sub3A_325 : i32
      %select_n3A_327 = arith.select %and3A_324, %sub3A_326, %div3A_305 : i32
      %add3A_328 = arith.addi %mul3A_2, %select_n3A_327 : i32
      %jit3A_329 = arith.constant 2 : i32
      %eq3A_330 = arith.constant 0 : i32
      %eq3A_331 = arith.cmpi eq, %jit3A_329, %eq3A_330 : i32
      %jit3A_332 = arith.constant 1 : i32
      %select_n3A_333 = arith.select %eq3A_331, %jit3A_332, %jit3A_329 : i32
      %rem3A_334 = arith.remsi %add3A_242, %select_n3A_333 : i32
      %ne3A_335 = arith.constant 0 : i32
      %ne3A_336 = arith.cmpi ne, %rem3A_334, %ne3A_335 : i32
      %lt3A_337 = arith.constant 0 : i32
      %lt3A_338 = arith.cmpi slt, %rem3A_334, %lt3A_337 : i32
      %lt3A_339 = arith.constant 0 : i32
      %lt3A_340 = arith.cmpi slt, %select_n3A_333, %lt3A_339 : i32
      %ne3A_341 = arith.xori %lt3A_338, %lt3A_340 : i1
      %and3A_342 = arith.andi %ne3A_341, %ne3A_336 : i1
      %add3A_343 = arith.addi %rem3A_334, %select_n3A_333 : i32
      %select_n3A_344 = arith.select %and3A_342, %add3A_343, %rem3A_334 : i32
      %mul3A_345 = arith.constant 112 : i32
      %mul3A_346 = arith.muli %select_n3A_344, %mul3A_345 : i32
      %dma_wait3A_347 = arith.constant 1 : i32
      %dma_wait3A_348 = arith.constant 1 : i32
      %dma_wait3A_349 = arith.constant 0 : i32
      %dma_wait3A_350 = arith.constant 0 : i32
      %dma_wait3A_351 = tpu.memref_slice %arg6[%dma_wait3A_347, %dma_wait3A_349, %dma_wait3A_350] : memref<2x112x224xf32, #tpu.memory_space<vmem>> -> memref<1x112x224xf32, #tpu.memory_space<vmem>>
      %dma_wait3A_352 = tpu.memref_squeeze %dma_wait3A_351 : memref<1x112x224xf32, #tpu.memory_space<vmem>> -> memref<112x224xf32, #tpu.memory_space<vmem>>
      %dma_wait3A_353 = arith.constant 0 : i32
      %dma_wait3A_354 = tpu.memref_slice %arg3[%add3A_328, %mul3A_346, %dma_wait3A_353] : memref<384x224x224xf32, #tpu.memory_space<hbm>> -> memref<1x112x224xf32, #tpu.memory_space<hbm>>
      %dma_wait3A_355 = tpu.memref_squeeze %dma_wait3A_354 : memref<1x112x224xf32, #tpu.memory_space<hbm>> -> memref<112x224xf32, #tpu.memory_space<hbm>>
      %dma_wait3A_356 = tpu.memref_slice %arg9[%dma_wait3A_348] : memref<2x!tpu.dma_semaphore, #tpu.memory_space<semaphore_mem>> -> memref<1x!tpu.dma_semaphore, #tpu.memory_space<semaphore_mem>>
      %dma_wait3A_357 = tpu.memref_squeeze %dma_wait3A_356 : memref<1x!tpu.dma_semaphore, #tpu.memory_space<semaphore_mem>> -> memref<!tpu.dma_semaphore, #tpu.memory_space<semaphore_mem>>
      %dma_wait3A_358 = arith.constant 0 : i32
      %dma_wait3A_359 = arith.constant 0 : i32
      %dma_wait3A_360 = tpu.memref_slice %arg6[%dma_wait3A_347, %dma_wait3A_358, %dma_wait3A_359] : memref<2x112x224xf32, #tpu.memory_space<vmem>> -> memref<1x112x224xf32, #tpu.memory_space<vmem>>
      %dma_wait3A_361 = tpu.memref_squeeze %dma_wait3A_360 : memref<1x112x224xf32, #tpu.memory_space<vmem>> -> memref<112x224xf32, #tpu.memory_space<vmem>>
      %dma_wait3A_362 = arith.constant 0 : i32
      %dma_wait3A_363 = tpu.memref_slice %arg3[%add3A_328, %mul3A_346, %dma_wait3A_362] : memref<384x224x224xf32, #tpu.memory_space<hbm>> -> memref<1x112x224xf32, #tpu.memory_space<hbm>>
      %dma_wait3A_364 = tpu.memref_squeeze %dma_wait3A_363 : memref<1x112x224xf32, #tpu.memory_space<hbm>> -> memref<112x224xf32, #tpu.memory_space<hbm>>
      tpu.wait_dma2 semaphore(%dma_wait3A_357 : memref<!tpu.dma_semaphore, #tpu.memory_space<semaphore_mem>>) src(%dma_wait3A_364 : memref<112x224xf32, #tpu.memory_space<hbm>>) dst(%dma_wait3A_361 : memref<112x224xf32, #tpu.memory_space<vmem>>)
      %add3A_365 = arith.constant 2 : i32
      %add3A_366 = arith.addi %add3A_242, %add3A_365 : i32
      %lt3A_367 = arith.constant 4 : i32
      %lt3A_368 = arith.cmpi slt, %add3A_366, %lt3A_367 : i32
      %convert_element_type3A_369 = arith.extui %lt3A_368 : i1 to i32
      %cond3A_370 = arith.constant 0 : i32
      %cond3A_371 = arith.cmpi ne, %convert_element_type3A_369, %cond3A_370 : i32
      scf.if %cond3A_371 {
        %add3A_378 = arith.constant 2 : i32
        %add3A_379 = arith.addi %add3A_242, %add3A_378 : i32
        %jit3A_380 = arith.constant 2 : i32
        %div3A_381 = arith.divsi %add3A_379, %jit3A_380 : i32
        %sign3A_382 = arith.constant 0 : i32
        %sign3A_383 = arith.cmpi sgt, %add3A_379, %sign3A_382 : i32
        %sign3A_384 = arith.extui %sign3A_383 : i1 to i32
        %sign3A_385 = arith.constant 0 : i32
        %sign3A_386 = arith.cmpi slt, %add3A_379, %sign3A_385 : i32
        %sign3A_387 = arith.extui %sign3A_386 : i1 to i32
        %sign3A_388 = arith.subi %sign3A_384, %sign3A_387 : i32
        %sign3A_389 = arith.constant 0 : i32
        %sign3A_390 = arith.cmpi sgt, %jit3A_380, %sign3A_389 : i32
        %sign3A_391 = arith.extui %sign3A_390 : i1 to i32
        %sign3A_392 = arith.constant 0 : i32
        %sign3A_393 = arith.cmpi slt, %jit3A_380, %sign3A_392 : i32
        %sign3A_394 = arith.extui %sign3A_393 : i1 to i32
        %sign3A_395 = arith.subi %sign3A_391, %sign3A_394 : i32
        %ne3A_396 = arith.cmpi ne, %sign3A_388, %sign3A_395 : i32
        %rem3A_397 = arith.remsi %add3A_379, %jit3A_380 : i32
        %ne3A_398 = arith.constant 0 : i32
        %ne3A_399 = arith.cmpi ne, %rem3A_397, %ne3A_398 : i32
        %and3A_400 = arith.andi %ne3A_396, %ne3A_399 : i1
        %sub3A_401 = arith.constant 1 : i32
        %sub3A_402 = arith.subi %div3A_381, %sub3A_401 : i32
        %select_n3A_403 = arith.select %and3A_400, %sub3A_402, %div3A_381 : i32
        %add3A_404 = arith.addi %mul3A_2, %select_n3A_403 : i32
        %jit3A_405 = arith.constant 2 : i32
        %eq3A_406 = arith.constant 0 : i32
        %eq3A_407 = arith.cmpi eq, %jit3A_405, %eq3A_406 : i32
        %jit3A_408 = arith.constant 1 : i32
        %select_n3A_409 = arith.select %eq3A_407, %jit3A_408, %jit3A_405 : i32
        %rem3A_410 = arith.remsi %add3A_379, %select_n3A_409 : i32
        %ne3A_411 = arith.constant 0 : i32
        %ne3A_412 = arith.cmpi ne, %rem3A_410, %ne3A_411 : i32
        %lt3A_413 = arith.constant 0 : i32
        %lt3A_414 = arith.cmpi slt, %rem3A_410, %lt3A_413 : i32
        %lt3A_415 = arith.constant 0 : i32
        %lt3A_416 = arith.cmpi slt, %select_n3A_409, %lt3A_415 : i32
        %ne3A_417 = arith.xori %lt3A_414, %lt3A_416 : i1
        %and3A_418 = arith.andi %ne3A_417, %ne3A_412 : i1
        %add3A_419 = arith.addi %rem3A_410, %select_n3A_409 : i32
        %select_n3A_420 = arith.select %and3A_418, %add3A_419, %rem3A_410 : i32
        %mul3A_421 = arith.constant 112 : i32
        %mul3A_422 = arith.muli %select_n3A_420, %mul3A_421 : i32
        %dma_start3A_423 = arith.constant 1 : i32
        %dma_start3A_424 = arith.constant 1 : i32
        %dma_start3A_425 = arith.constant 0 : i32
        %dma_start3A_426 = arith.constant 0 : i32
        %dma_start3A_427 = tpu.memref_slice %arg5[%dma_start3A_423, %dma_start3A_425, %dma_start3A_426] : memref<2x112x224xf32, #tpu.memory_space<vmem>> -> memref<1x112x224xf32, #tpu.memory_space<vmem>>
        %dma_start3A_428 = tpu.memref_squeeze %dma_start3A_427 : memref<1x112x224xf32, #tpu.memory_space<vmem>> -> memref<112x224xf32, #tpu.memory_space<vmem>>
        %dma_start3A_429 = arith.constant 0 : i32
        %dma_start3A_430 = tpu.memref_slice %arg2[%add3A_404, %mul3A_422, %dma_start3A_429] : memref<384x224x224xf32, #tpu.memory_space<hbm>> -> memref<1x112x224xf32, #tpu.memory_space<hbm>>
        %dma_start3A_431 = tpu.memref_squeeze %dma_start3A_430 : memref<1x112x224xf32, #tpu.memory_space<hbm>> -> memref<112x224xf32, #tpu.memory_space<hbm>>
        %dma_start3A_432 = tpu.memref_slice %arg8[%dma_start3A_424] : memref<2x!tpu.dma_semaphore, #tpu.memory_space<semaphore_mem>> -> memref<1x!tpu.dma_semaphore, #tpu.memory_space<semaphore_mem>>
        %dma_start3A_433 = tpu.memref_squeeze %dma_start3A_432 : memref<1x!tpu.dma_semaphore, #tpu.memory_space<semaphore_mem>> -> memref<!tpu.dma_semaphore, #tpu.memory_space<semaphore_mem>>
        %dma_start3A_434 = arith.constant 0 : i32
        %dma_start3A_435 = arith.constant 0 : i32
        %dma_start3A_436 = tpu.memref_slice %arg5[%dma_start3A_423, %dma_start3A_434, %dma_start3A_435] : memref<2x112x224xf32, #tpu.memory_space<vmem>> -> memref<1x112x224xf32, #tpu.memory_space<vmem>>
        %dma_start3A_437 = tpu.memref_squeeze %dma_start3A_436 : memref<1x112x224xf32, #tpu.memory_space<vmem>> -> memref<112x224xf32, #tpu.memory_space<vmem>>
        %dma_start3A_438 = arith.constant 0 : i32
        %dma_start3A_439 = tpu.memref_slice %arg2[%add3A_404, %mul3A_422, %dma_start3A_438] : memref<384x224x224xf32, #tpu.memory_space<hbm>> -> memref<1x112x224xf32, #tpu.memory_space<hbm>>
        %dma_start3A_440 = tpu.memref_squeeze %dma_start3A_439 : memref<1x112x224xf32, #tpu.memory_space<hbm>> -> memref<112x224xf32, #tpu.memory_space<hbm>>
        tpu.enqueue_dma source(%dma_start3A_440 : memref<112x224xf32, #tpu.memory_space<hbm>>) target(%dma_start3A_437 : memref<112x224xf32, #tpu.memory_space<vmem>>) target_semaphore(%dma_start3A_433 : memref<!tpu.dma_semaphore, #tpu.memory_space<semaphore_mem>>)
        %jit3A_441 = arith.constant 2 : i32
        %div3A_442 = arith.divsi %add3A_379, %jit3A_441 : i32
        %sign3A_443 = arith.constant 0 : i32
        %sign3A_444 = arith.cmpi sgt, %add3A_379, %sign3A_443 : i32
        %sign3A_445 = arith.extui %sign3A_444 : i1 to i32
        %sign3A_446 = arith.constant 0 : i32
        %sign3A_447 = arith.cmpi slt, %add3A_379, %sign3A_446 : i32
        %sign3A_448 = arith.extui %sign3A_447 : i1 to i32
        %sign3A_449 = arith.subi %sign3A_445, %sign3A_448 : i32
        %sign3A_450 = arith.constant 0 : i32
        %sign3A_451 = arith.cmpi sgt, %jit3A_441, %sign3A_450 : i32
        %sign3A_452 = arith.extui %sign3A_451 : i1 to i32
        %sign3A_453 = arith.constant 0 : i32
        %sign3A_454 = arith.cmpi slt, %jit3A_441, %sign3A_453 : i32
        %sign3A_455 = arith.extui %sign3A_454 : i1 to i32
        %sign3A_456 = arith.subi %sign3A_452, %sign3A_455 : i32
        %ne3A_457 = arith.cmpi ne, %sign3A_449, %sign3A_456 : i32
        %rem3A_458 = arith.remsi %add3A_379, %jit3A_441 : i32
        %ne3A_459 = arith.constant 0 : i32
        %ne3A_460 = arith.cmpi ne, %rem3A_458, %ne3A_459 : i32
        %and3A_461 = arith.andi %ne3A_457, %ne3A_460 : i1
        %sub3A_462 = arith.constant 1 : i32
        %sub3A_463 = arith.subi %div3A_442, %sub3A_462 : i32
        %select_n3A_464 = arith.select %and3A_461, %sub3A_463, %div3A_442 : i32
        %add3A_465 = arith.addi %mul3A_2, %select_n3A_464 : i32
        %jit3A_466 = arith.constant 2 : i32
        %eq3A_467 = arith.constant 0 : i32
        %eq3A_468 = arith.cmpi eq, %jit3A_466, %eq3A_467 : i32
        %jit3A_469 = arith.constant 1 : i32
        %select_n3A_470 = arith.select %eq3A_468, %jit3A_469, %jit3A_466 : i32
        %rem3A_471 = arith.remsi %add3A_379, %select_n3A_470 : i32
        %ne3A_472 = arith.constant 0 : i32
        %ne3A_473 = arith.cmpi ne, %rem3A_471, %ne3A_472 : i32
        %lt3A_474 = arith.constant 0 : i32
        %lt3A_475 = arith.cmpi slt, %rem3A_471, %lt3A_474 : i32
        %lt3A_476 = arith.constant 0 : i32
        %lt3A_477 = arith.cmpi slt, %select_n3A_470, %lt3A_476 : i32
        %ne3A_478 = arith.xori %lt3A_475, %lt3A_477 : i1
        %and3A_479 = arith.andi %ne3A_478, %ne3A_473 : i1
        %add3A_480 = arith.addi %rem3A_471, %select_n3A_470 : i32
        %select_n3A_481 = arith.select %and3A_479, %add3A_480, %rem3A_471 : i32
        %mul3A_482 = arith.constant 112 : i32
        %mul3A_483 = arith.muli %select_n3A_481, %mul3A_482 : i32
        %dma_start3A_484 = arith.constant 1 : i32
        %dma_start3A_485 = arith.constant 1 : i32
        %dma_start3A_486 = arith.constant 0 : i32
        %dma_start3A_487 = arith.constant 0 : i32
        %dma_start3A_488 = tpu.memref_slice %arg6[%dma_start3A_484, %dma_start3A_486, %dma_start3A_487] : memref<2x112x224xf32, #tpu.memory_space<vmem>> -> memref<1x112x224xf32, #tpu.memory_space<vmem>>
        %dma_start3A_489 = tpu.memref_squeeze %dma_start3A_488 : memref<1x112x224xf32, #tpu.memory_space<vmem>> -> memref<112x224xf32, #tpu.memory_space<vmem>>
        %dma_start3A_490 = arith.constant 0 : i32
        %dma_start3A_491 = tpu.memref_slice %arg3[%add3A_465, %mul3A_483, %dma_start3A_490] : memref<384x224x224xf32, #tpu.memory_space<hbm>> -> memref<1x112x224xf32, #tpu.memory_space<hbm>>
        %dma_start3A_492 = tpu.memref_squeeze %dma_start3A_491 : memref<1x112x224xf32, #tpu.memory_space<hbm>> -> memref<112x224xf32, #tpu.memory_space<hbm>>
        %dma_start3A_493 = tpu.memref_slice %arg9[%dma_start3A_485] : memref<2x!tpu.dma_semaphore, #tpu.memory_space<semaphore_mem>> -> memref<1x!tpu.dma_semaphore, #tpu.memory_space<semaphore_mem>>
        %dma_start3A_494 = tpu.memref_squeeze %dma_start3A_493 : memref<1x!tpu.dma_semaphore, #tpu.memory_space<semaphore_mem>> -> memref<!tpu.dma_semaphore, #tpu.memory_space<semaphore_mem>>
        %dma_start3A_495 = arith.constant 0 : i32
        %dma_start3A_496 = arith.constant 0 : i32
        %dma_start3A_497 = tpu.memref_slice %arg6[%dma_start3A_484, %dma_start3A_495, %dma_start3A_496] : memref<2x112x224xf32, #tpu.memory_space<vmem>> -> memref<1x112x224xf32, #tpu.memory_space<vmem>>
        %dma_start3A_498 = tpu.memref_squeeze %dma_start3A_497 : memref<1x112x224xf32, #tpu.memory_space<vmem>> -> memref<112x224xf32, #tpu.memory_space<vmem>>
        %dma_start3A_499 = arith.constant 0 : i32
        %dma_start3A_500 = tpu.memref_slice %arg3[%add3A_465, %mul3A_483, %dma_start3A_499] : memref<384x224x224xf32, #tpu.memory_space<hbm>> -> memref<1x112x224xf32, #tpu.memory_space<hbm>>
        %dma_start3A_501 = tpu.memref_squeeze %dma_start3A_500 : memref<1x112x224xf32, #tpu.memory_space<hbm>> -> memref<112x224xf32, #tpu.memory_space<hbm>>
        tpu.enqueue_dma source(%dma_start3A_501 : memref<112x224xf32, #tpu.memory_space<hbm>>) target(%dma_start3A_498 : memref<112x224xf32, #tpu.memory_space<vmem>>) target_semaphore(%dma_start3A_494 : memref<!tpu.dma_semaphore, #tpu.memory_space<semaphore_mem>>)
      } else {
      }
      %scan3A_372 = arith.constant 0 : i32
      %scan3A_373 = arith.constant 112 : i32
      %scan3A_374 = arith.addi %scan3A_372, %scan3A_373 : i32
      %scan3A_375 = arith.constant 1 : i32
      %scan3A_376:3 = scf.for %scan3A_378 = %scan3A_372 to %scan3A_374 step %scan3A_375 iter_args(%scan3A_379 = %scan3A_239#0, %scan3A_380 = %scan3A_239#1, %scan3A_381 = %scan3A_239#2) -> (vector<16xf32>, vector<16xf32>, vector<16xf32>)  : i32 {
        %get3A = arith.constant 1 : i32
        %get3A_382 = arith.index_cast %get3A : i32 to index
        %get3A_383 = arith.index_cast %scan3A_378 : i32 to index
        %get3A_384 = arith.constant 0 : index
        %get3A_385 = tpu.vector_load %arg5[%get3A_382, %get3A_383, %get3A_384] {strides = array<i32>} : memref<2x112x224xf32, #tpu.memory_space<vmem>>, vector<1x1x16xf32>,
        %get3A_386 = vector.shape_cast %get3A_385 : vector<1x1x16xf32> to vector<16xf32>
        %get3A_387 = arith.constant 1 : i32
        %get3A_388 = arith.index_cast %get3A_387 : i32 to index
        %get3A_389 = arith.index_cast %scan3A_378 : i32 to index
        %get3A_390 = arith.constant 0 : index
        %get3A_391 = tpu.vector_load %arg6[%get3A_388, %get3A_389, %get3A_390] {strides = array<i32>} : memref<2x112x224xf32, #tpu.memory_space<vmem>>, vector<1x1x16xf32>,
        %get3A_392 = vector.shape_cast %get3A_391 : vector<1x1x16xf32> to vector<16xf32>
        %eq3A_393 = arith.constant 0.000000e+00 : f32
        %eq3A_394 = vector.broadcast %eq3A_393 : f32 to vector<16xf32>
        %eq3A_395 = arith.cmpf oeq, %get3A_392, %eq3A_394 : vector<16xf32>
        %sub3A_396 = arith.subf %get3A_386, %get3A_392 : vector<16xf32>
        %mul3A_397 = arith.mulf %sub3A_396, %sub3A_396 : vector<16xf32>
        %jit3A_398 = arith.constant 0.000000e+00 : f32
        %broadcast_in_dim3A_399 = vector.broadcast %jit3A_398 : f32 to vector<16xf32>
        %select_n3A_400 = arith.select %eq3A_395, %mul3A_397, %broadcast_in_dim3A_399 : vector<16xi1>, vector<16xf32>
        %add3A_401 = arith.addf %scan3A_379, %select_n3A_400 : vector<16xf32>
        %abs3A = math.absf %sub3A_396 : vector<16xf32>
        %jit3A_402 = arith.constant 0.000000e+00 : f32
        %broadcast_in_dim3A_403 = vector.broadcast %jit3A_402 : f32 to vector<16xf32>
        %select_n3A_404 = arith.select %eq3A_395, %broadcast_in_dim3A_403, %abs3A : vector<16xi1>, vector<16xf32>
        %add3A_405 = arith.addf %scan3A_380, %select_n3A_404 : vector<16xf32>
        %jit3A_406 = arith.constant 1.000000e+00 : f32
        %jit3A_407 = arith.constant 0.000000e+00 : f32
        %broadcast_in_dim3A_408 = vector.broadcast %jit3A_406 : f32 to vector<16xf32>
        %broadcast_in_dim3A_409 = vector.broadcast %jit3A_407 : f32 to vector<16xf32>
        %select_n3A_410 = arith.select %eq3A_395, %broadcast_in_dim3A_408, %broadcast_in_dim3A_409 : vector<16xi1>, vector<16xf32>
        %add3A_411 = arith.addf %scan3A_381, %select_n3A_410 : vector<16xf32>
        %get3A_412 = arith.constant 1 : i32
        %get3A_413 = arith.index_cast %get3A_412 : i32 to index
        %get3A_414 = arith.index_cast %scan3A_378 : i32 to index
        %get3A_415 = arith.constant 16 : index
        %get3A_416 = tpu.vector_load %arg5[%get3A_413, %get3A_414, %get3A_415] {strides = array<i32>} : memref<2x112x224xf32, #tpu.memory_space<vmem>>, vector<1x1x16xf32>,
        %get3A_417 = vector.shape_cast %get3A_416 : vector<1x1x16xf32> to vector<16xf32>
        %get3A_418 = arith.constant 1 : i32
        %get3A_419 = arith.index_cast %get3A_418 : i32 to index
        %get3A_420 = arith.index_cast %scan3A_378 : i32 to index
        %get3A_421 = arith.constant 16 : index
        %get3A_422 = tpu.vector_load %arg6[%get3A_419, %get3A_420, %get3A_421] {strides = array<i32>} : memref<2x112x224xf32, #tpu.memory_space<vmem>>, vector<1x1x16xf32>,
        %get3A_423 = vector.shape_cast %get3A_422 : vector<1x1x16xf32> to vector<16xf32>
        %eq3A_424 = arith.constant 0.000000e+00 : f32
        %eq3A_425 = vector.broadcast %eq3A_424 : f32 to vector<16xf32>
        %eq3A_426 = arith.cmpf oeq, %get3A_423, %eq3A_425 : vector<16xf32>
        %sub3A_427 = arith.subf %get3A_417, %get3A_423 : vector<16xf32>
        %mul3A_428 = arith.mulf %sub3A_427, %sub3A_427 : vector<16xf32>
        %jit3A_429 = arith.constant 0.000000e+00 : f32
        %broadcast_in_dim3A_430 = vector.broadcast %jit3A_429 : f32 to vector<16xf32>
        %select_n3A_431 = arith.select %eq3A_426, %mul3A_428, %broadcast_in_dim3A_430 : vector<16xi1>, vector<16xf32>
        %add3A_432 = arith.addf %add3A_401, %select_n3A_431 : vector<16xf32>
        %abs3A_433 = math.absf %sub3A_427 : vector<16xf32>
        %jit3A_434 = arith.constant 0.000000e+00 : f32
        %broadcast_in_dim3A_435 = vector.broadcast %jit3A_434 : f32 to vector<16xf32>
        %select_n3A_436 = arith.select %eq3A_426, %broadcast_in_dim3A_435, %abs3A_433 : vector<16xi1>, vector<16xf32>
        %add3A_437 = arith.addf %add3A_405, %select_n3A_436 : vector<16xf32>
        %jit3A_438 = arith.constant 1.000000e+00 : f32
        %jit3A_439 = arith.constant 0.000000e+00 : f32
        %broadcast_in_dim3A_440 = vector.broadcast %jit3A_438 : f32 to vector<16xf32>
        %broadcast_in_dim3A_441 = vector.broadcast %jit3A_439 : f32 to vector<16xf32>
        %select_n3A_442 = arith.select %eq3A_426, %broadcast_in_dim3A_440, %broadcast_in_dim3A_441 : vector<16xi1>, vector<16xf32>
        %add3A_443 = arith.addf %add3A_411, %select_n3A_442 : vector<16xf32>
        %get3A_444 = arith.constant 1 : i32
        %get3A_445 = arith.index_cast %get3A_444 : i32 to index
        %get3A_446 = arith.index_cast %scan3A_378 : i32 to index
        %get3A_447 = arith.constant 32 : index
        %get3A_448 = tpu.vector_load %arg5[%get3A_445, %get3A_446, %get3A_447] {strides = array<i32>} : memref<2x112x224xf32, #tpu.memory_space<vmem>>, vector<1x1x16xf32>,
        %get3A_449 = vector.shape_cast %get3A_448 : vector<1x1x16xf32> to vector<16xf32>
        %get3A_450 = arith.constant 1 : i32
        %get3A_451 = arith.index_cast %get3A_450 : i32 to index
        %get3A_452 = arith.index_cast %scan3A_378 : i32 to index
        %get3A_453 = arith.constant 32 : index
        %get3A_454 = tpu.vector_load %arg6[%get3A_451, %get3A_452, %get3A_453] {strides = array<i32>} : memref<2x112x224xf32, #tpu.memory_space<vmem>>, vector<1x1x16xf32>,
        %get3A_455 = vector.shape_cast %get3A_454 : vector<1x1x16xf32> to vector<16xf32>
        %eq3A_456 = arith.constant 0.000000e+00 : f32
        %eq3A_457 = vector.broadcast %eq3A_456 : f32 to vector<16xf32>
        %eq3A_458 = arith.cmpf oeq, %get3A_455, %eq3A_457 : vector<16xf32>
        %sub3A_459 = arith.subf %get3A_449, %get3A_455 : vector<16xf32>
        %mul3A_460 = arith.mulf %sub3A_459, %sub3A_459 : vector<16xf32>
        %jit3A_461 = arith.constant 0.000000e+00 : f32
        %broadcast_in_dim3A_462 = vector.broadcast %jit3A_461 : f32 to vector<16xf32>
        %select_n3A_463 = arith.select %eq3A_458, %mul3A_460, %broadcast_in_dim3A_462 : vector<16xi1>, vector<16xf32>
        %add3A_464 = arith.addf %add3A_432, %select_n3A_463 : vector<16xf32>
        %abs3A_465 = math.absf %sub3A_459 : vector<16xf32>
        %jit3A_466 = arith.constant 0.000000e+00 : f32
        %broadcast_in_dim3A_467 = vector.broadcast %jit3A_466 : f32 to vector<16xf32>
        %select_n3A_468 = arith.select %eq3A_458, %broadcast_in_dim3A_467, %abs3A_465 : vector<16xi1>, vector<16xf32>
        %add3A_469 = arith.addf %add3A_437, %select_n3A_468 : vector<16xf32>
        %jit3A_470 = arith.constant 1.000000e+00 : f32
        %jit3A_471 = arith.constant 0.000000e+00 : f32
        %broadcast_in_dim3A_472 = vector.broadcast %jit3A_470 : f32 to vector<16xf32>
        %broadcast_in_dim3A_473 = vector.broadcast %jit3A_471 : f32 to vector<16xf32>
        %select_n3A_474 = arith.select %eq3A_458, %broadcast_in_dim3A_472, %broadcast_in_dim3A_473 : vector<16xi1>, vector<16xf32>
        %add3A_475 = arith.addf %add3A_443, %select_n3A_474 : vector<16xf32>
        %get3A_476 = arith.constant 1 : i32
        %get3A_477 = arith.index_cast %get3A_476 : i32 to index
        %get3A_478 = arith.index_cast %scan3A_378 : i32 to index
        %get3A_479 = arith.constant 48 : index
        %get3A_480 = tpu.vector_load %arg5[%get3A_477, %get3A_478, %get3A_479] {strides = array<i32>} : memref<2x112x224xf32, #tpu.memory_space<vmem>>, vector<1x1x16xf32>,
        %get3A_481 = vector.shape_cast %get3A_480 : vector<1x1x16xf32> to vector<16xf32>
        %get3A_482 = arith.constant 1 : i32
        %get3A_483 = arith.index_cast %get3A_482 : i32 to index
        %get3A_484 = arith.index_cast %scan3A_378 : i32 to index
        %get3A_485 = arith.constant 48 : index
        %get3A_486 = tpu.vector_load %arg6[%get3A_483, %get3A_484, %get3A_485] {strides = array<i32>} : memref<2x112x224xf32, #tpu.memory_space<vmem>>, vector<1x1x16xf32>,
        %get3A_487 = vector.shape_cast %get3A_486 : vector<1x1x16xf32> to vector<16xf32>
        %eq3A_488 = arith.constant 0.000000e+00 : f32
        %eq3A_489 = vector.broadcast %eq3A_488 : f32 to vector<16xf32>
        %eq3A_490 = arith.cmpf oeq, %get3A_487, %eq3A_489 : vector<16xf32>
        %sub3A_491 = arith.subf %get3A_481, %get3A_487 : vector<16xf32>
        %mul3A_492 = arith.mulf %sub3A_491, %sub3A_491 : vector<16xf32>
        %jit3A_493 = arith.constant 0.000000e+00 : f32
        %broadcast_in_dim3A_494 = vector.broadcast %jit3A_493 : f32 to vector<16xf32>
        %select_n3A_495 = arith.select %eq3A_490, %mul3A_492, %broadcast_in_dim3A_494 : vector<16xi1>, vector<16xf32>
        %add3A_496 = arith.addf %add3A_464, %select_n3A_495 : vector<16xf32>
        %abs3A_497 = math.absf %sub3A_491 : vector<16xf32>
        %jit3A_498 = arith.constant 0.000000e+00 : f32
        %broadcast_in_dim3A_499 = vector.broadcast %jit3A_498 : f32 to vector<16xf32>
        %select_n3A_500 = arith.select %eq3A_490, %broadcast_in_dim3A_499, %abs3A_497 : vector<16xi1>, vector<16xf32>
        %add3A_501 = arith.addf %add3A_469, %select_n3A_500 : vector<16xf32>
        %jit3A_502 = arith.constant 1.000000e+00 : f32
        %jit3A_503 = arith.constant 0.000000e+00 : f32
        %broadcast_in_dim3A_504 = vector.broadcast %jit3A_502 : f32 to vector<16xf32>
        %broadcast_in_dim3A_505 = vector.broadcast %jit3A_503 : f32 to vector<16xf32>
        %select_n3A_506 = arith.select %eq3A_490, %broadcast_in_dim3A_504, %broadcast_in_dim3A_505 : vector<16xi1>, vector<16xf32>
        %add3A_507 = arith.addf %add3A_475, %select_n3A_506 : vector<16xf32>
        %get3A_508 = arith.constant 1 : i32
        %get3A_509 = arith.index_cast %get3A_508 : i32 to index
        %get3A_510 = arith.index_cast %scan3A_378 : i32 to index
        %get3A_511 = arith.constant 64 : index
        %get3A_512 = tpu.vector_load %arg5[%get3A_509, %get3A_510, %get3A_511] {strides = array<i32>} : memref<2x112x224xf32, #tpu.memory_space<vmem>>, vector<1x1x16xf32>,
        %get3A_513 = vector.shape_cast %get3A_512 : vector<1x1x16xf32> to vector<16xf32>
        %get3A_514 = arith.constant 1 : i32
        %get3A_515 = arith.index_cast %get3A_514 : i32 to index
        %get3A_516 = arith.index_cast %scan3A_378 : i32 to index
        %get3A_517 = arith.constant 64 : index
        %get3A_518 = tpu.vector_load %arg6[%get3A_515, %get3A_516, %get3A_517] {strides = array<i32>} : memref<2x112x224xf32, #tpu.memory_space<vmem>>, vector<1x1x16xf32>,
        %get3A_519 = vector.shape_cast %get3A_518 : vector<1x1x16xf32> to vector<16xf32>
        %eq3A_520 = arith.constant 0.000000e+00 : f32
        %eq3A_521 = vector.broadcast %eq3A_520 : f32 to vector<16xf32>
        %eq3A_522 = arith.cmpf oeq, %get3A_519, %eq3A_521 : vector<16xf32>
        %sub3A_523 = arith.subf %get3A_513, %get3A_519 : vector<16xf32>
        %mul3A_524 = arith.mulf %sub3A_523, %sub3A_523 : vector<16xf32>
        %jit3A_525 = arith.constant 0.000000e+00 : f32
        %broadcast_in_dim3A_526 = vector.broadcast %jit3A_525 : f32 to vector<16xf32>
        %select_n3A_527 = arith.select %eq3A_522, %mul3A_524, %broadcast_in_dim3A_526 : vector<16xi1>, vector<16xf32>
        %add3A_528 = arith.addf %add3A_496, %select_n3A_527 : vector<16xf32>
        %abs3A_529 = math.absf %sub3A_523 : vector<16xf32>
        %jit3A_530 = arith.constant 0.000000e+00 : f32
        %broadcast_in_dim3A_531 = vector.broadcast %jit3A_530 : f32 to vector<16xf32>
        %select_n3A_532 = arith.select %eq3A_522, %broadcast_in_dim3A_531, %abs3A_529 : vector<16xi1>, vector<16xf32>
        %add3A_533 = arith.addf %add3A_501, %select_n3A_532 : vector<16xf32>
        %jit3A_534 = arith.constant 1.000000e+00 : f32
        %jit3A_535 = arith.constant 0.000000e+00 : f32
        %broadcast_in_dim3A_536 = vector.broadcast %jit3A_534 : f32 to vector<16xf32>
        %broadcast_in_dim3A_537 = vector.broadcast %jit3A_535 : f32 to vector<16xf32>
        %select_n3A_538 = arith.select %eq3A_522, %broadcast_in_dim3A_536, %broadcast_in_dim3A_537 : vector<16xi1>, vector<16xf32>
        %add3A_539 = arith.addf %add3A_507, %select_n3A_538 : vector<16xf32>
        %get3A_540 = arith.constant 1 : i32
        %get3A_541 = arith.index_cast %get3A_540 : i32 to index
        %get3A_542 = arith.index_cast %scan3A_378 : i32 to index
        %get3A_543 = arith.constant 80 : index
        %get3A_544 = tpu.vector_load %arg5[%get3A_541, %get3A_542, %get3A_543] {strides = array<i32>} : memref<2x112x224xf32, #tpu.memory_space<vmem>>, vector<1x1x16xf32>,
        %get3A_545 = vector.shape_cast %get3A_544 : vector<1x1x16xf32> to vector<16xf32>
        %get3A_546 = arith.constant 1 : i32
        %get3A_547 = arith.index_cast %get3A_546 : i32 to index
        %get3A_548 = arith.index_cast %scan3A_378 : i32 to index
        %get3A_549 = arith.constant 80 : index
        %get3A_550 = tpu.vector_load %arg6[%get3A_547, %get3A_548, %get3A_549] {strides = array<i32>} : memref<2x112x224xf32, #tpu.memory_space<vmem>>, vector<1x1x16xf32>,
        %get3A_551 = vector.shape_cast %get3A_550 : vector<1x1x16xf32> to vector<16xf32>
        %eq3A_552 = arith.constant 0.000000e+00 : f32
        %eq3A_553 = vector.broadcast %eq3A_552 : f32 to vector<16xf32>
        %eq3A_554 = arith.cmpf oeq, %get3A_551, %eq3A_553 : vector<16xf32>
        %sub3A_555 = arith.subf %get3A_545, %get3A_551 : vector<16xf32>
        %mul3A_556 = arith.mulf %sub3A_555, %sub3A_555 : vector<16xf32>
        %jit3A_557 = arith.constant 0.000000e+00 : f32
        %broadcast_in_dim3A_558 = vector.broadcast %jit3A_557 : f32 to vector<16xf32>
        %select_n3A_559 = arith.select %eq3A_554, %mul3A_556, %broadcast_in_dim3A_558 : vector<16xi1>, vector<16xf32>
        %add3A_560 = arith.addf %add3A_528, %select_n3A_559 : vector<16xf32>
        %abs3A_561 = math.absf %sub3A_555 : vector<16xf32>
        %jit3A_562 = arith.constant 0.000000e+00 : f32
        %broadcast_in_dim3A_563 = vector.broadcast %jit3A_562 : f32 to vector<16xf32>
        %select_n3A_564 = arith.select %eq3A_554, %broadcast_in_dim3A_563, %abs3A_561 : vector<16xi1>, vector<16xf32>
        %add3A_565 = arith.addf %add3A_533, %select_n3A_564 : vector<16xf32>
        %jit3A_566 = arith.constant 1.000000e+00 : f32
        %jit3A_567 = arith.constant 0.000000e+00 : f32
        %broadcast_in_dim3A_568 = vector.broadcast %jit3A_566 : f32 to vector<16xf32>
        %broadcast_in_dim3A_569 = vector.broadcast %jit3A_567 : f32 to vector<16xf32>
        %select_n3A_570 = arith.select %eq3A_554, %broadcast_in_dim3A_568, %broadcast_in_dim3A_569 : vector<16xi1>, vector<16xf32>
        %add3A_571 = arith.addf %add3A_539, %select_n3A_570 : vector<16xf32>
        %get3A_572 = arith.constant 1 : i32
        %get3A_573 = arith.index_cast %get3A_572 : i32 to index
        %get3A_574 = arith.index_cast %scan3A_378 : i32 to index
        %get3A_575 = arith.constant 96 : index
        %get3A_576 = tpu.vector_load %arg5[%get3A_573, %get3A_574, %get3A_575] {strides = array<i32>} : memref<2x112x224xf32, #tpu.memory_space<vmem>>, vector<1x1x16xf32>,
        %get3A_577 = vector.shape_cast %get3A_576 : vector<1x1x16xf32> to vector<16xf32>
        %get3A_578 = arith.constant 1 : i32
        %get3A_579 = arith.index_cast %get3A_578 : i32 to index
        %get3A_580 = arith.index_cast %scan3A_378 : i32 to index
        %get3A_581 = arith.constant 96 : index
        %get3A_582 = tpu.vector_load %arg6[%get3A_579, %get3A_580, %get3A_581] {strides = array<i32>} : memref<2x112x224xf32, #tpu.memory_space<vmem>>, vector<1x1x16xf32>,
        %get3A_583 = vector.shape_cast %get3A_582 : vector<1x1x16xf32> to vector<16xf32>
        %eq3A_584 = arith.constant 0.000000e+00 : f32
        %eq3A_585 = vector.broadcast %eq3A_584 : f32 to vector<16xf32>
        %eq3A_586 = arith.cmpf oeq, %get3A_583, %eq3A_585 : vector<16xf32>
        %sub3A_587 = arith.subf %get3A_577, %get3A_583 : vector<16xf32>
        %mul3A_588 = arith.mulf %sub3A_587, %sub3A_587 : vector<16xf32>
        %jit3A_589 = arith.constant 0.000000e+00 : f32
        %broadcast_in_dim3A_590 = vector.broadcast %jit3A_589 : f32 to vector<16xf32>
        %select_n3A_591 = arith.select %eq3A_586, %mul3A_588, %broadcast_in_dim3A_590 : vector<16xi1>, vector<16xf32>
        %add3A_592 = arith.addf %add3A_560, %select_n3A_591 : vector<16xf32>
        %abs3A_593 = math.absf %sub3A_587 : vector<16xf32>
        %jit3A_594 = arith.constant 0.000000e+00 : f32
        %broadcast_in_dim3A_595 = vector.broadcast %jit3A_594 : f32 to vector<16xf32>
        %select_n3A_596 = arith.select %eq3A_586, %broadcast_in_dim3A_595, %abs3A_593 : vector<16xi1>, vector<16xf32>
        %add3A_597 = arith.addf %add3A_565, %select_n3A_596 : vector<16xf32>
        %jit3A_598 = arith.constant 1.000000e+00 : f32
        %jit3A_599 = arith.constant 0.000000e+00 : f32
        %broadcast_in_dim3A_600 = vector.broadcast %jit3A_598 : f32 to vector<16xf32>
        %broadcast_in_dim3A_601 = vector.broadcast %jit3A_599 : f32 to vector<16xf32>
        %select_n3A_602 = arith.select %eq3A_586, %broadcast_in_dim3A_600, %broadcast_in_dim3A_601 : vector<16xi1>, vector<16xf32>
        %add3A_603 = arith.addf %add3A_571, %select_n3A_602 : vector<16xf32>
        %get3A_604 = arith.constant 1 : i32
        %get3A_605 = arith.index_cast %get3A_604 : i32 to index
        %get3A_606 = arith.index_cast %scan3A_378 : i32 to index
        %get3A_607 = arith.constant 112 : index
        %get3A_608 = tpu.vector_load %arg5[%get3A_605, %get3A_606, %get3A_607] {strides = array<i32>} : memref<2x112x224xf32, #tpu.memory_space<vmem>>, vector<1x1x16xf32>,
        %get3A_609 = vector.shape_cast %get3A_608 : vector<1x1x16xf32> to vector<16xf32>
        %get3A_610 = arith.constant 1 : i32
        %get3A_611 = arith.index_cast %get3A_610 : i32 to index
        %get3A_612 = arith.index_cast %scan3A_378 : i32 to index
        %get3A_613 = arith.constant 112 : index
        %get3A_614 = tpu.vector_load %arg6[%get3A_611, %get3A_612, %get3A_613] {strides = array<i32>} : memref<2x112x224xf32, #tpu.memory_space<vmem>>, vector<1x1x16xf32>,
        %get3A_615 = vector.shape_cast %get3A_614 : vector<1x1x16xf32> to vector<16xf32>
        %eq3A_616 = arith.constant 0.000000e+00 : f32
        %eq3A_617 = vector.broadcast %eq3A_616 : f32 to vector<16xf32>
        %eq3A_618 = arith.cmpf oeq, %get3A_615, %eq3A_617 : vector<16xf32>
        %sub3A_619 = arith.subf %get3A_609, %get3A_615 : vector<16xf32>
        %mul3A_620 = arith.mulf %sub3A_619, %sub3A_619 : vector<16xf32>
        %jit3A_621 = arith.constant 0.000000e+00 : f32
        %broadcast_in_dim3A_622 = vector.broadcast %jit3A_621 : f32 to vector<16xf32>
        %select_n3A_623 = arith.select %eq3A_618, %mul3A_620, %broadcast_in_dim3A_622 : vector<16xi1>, vector<16xf32>
        %add3A_624 = arith.addf %add3A_592, %select_n3A_623 : vector<16xf32>
        %abs3A_625 = math.absf %sub3A_619 : vector<16xf32>
        %jit3A_626 = arith.constant 0.000000e+00 : f32
        %broadcast_in_dim3A_627 = vector.broadcast %jit3A_626 : f32 to vector<16xf32>
        %select_n3A_628 = arith.select %eq3A_618, %broadcast_in_dim3A_627, %abs3A_625 : vector<16xi1>, vector<16xf32>
        %add3A_629 = arith.addf %add3A_597, %select_n3A_628 : vector<16xf32>
        %jit3A_630 = arith.constant 1.000000e+00 : f32
        %jit3A_631 = arith.constant 0.000000e+00 : f32
        %broadcast_in_dim3A_632 = vector.broadcast %jit3A_630 : f32 to vector<16xf32>
        %broadcast_in_dim3A_633 = vector.broadcast %jit3A_631 : f32 to vector<16xf32>
        %select_n3A_634 = arith.select %eq3A_618, %broadcast_in_dim3A_632, %broadcast_in_dim3A_633 : vector<16xi1>, vector<16xf32>
        %add3A_635 = arith.addf %add3A_603, %select_n3A_634 : vector<16xf32>
        %get3A_636 = arith.constant 1 : i32
        %get3A_637 = arith.index_cast %get3A_636 : i32 to index
        %get3A_638 = arith.index_cast %scan3A_378 : i32 to index
        %get3A_639 = arith.constant 128 : index
        %get3A_640 = tpu.vector_load %arg5[%get3A_637, %get3A_638, %get3A_639] {strides = array<i32>} : memref<2x112x224xf32, #tpu.memory_space<vmem>>, vector<1x1x16xf32>,
        %get3A_641 = vector.shape_cast %get3A_640 : vector<1x1x16xf32> to vector<16xf32>
        %get3A_642 = arith.constant 1 : i32
        %get3A_643 = arith.index_cast %get3A_642 : i32 to index
        %get3A_644 = arith.index_cast %scan3A_378 : i32 to index
        %get3A_645 = arith.constant 128 : index
        %get3A_646 = tpu.vector_load %arg6[%get3A_643, %get3A_644, %get3A_645] {strides = array<i32>} : memref<2x112x224xf32, #tpu.memory_space<vmem>>, vector<1x1x16xf32>,
        %get3A_647 = vector.shape_cast %get3A_646 : vector<1x1x16xf32> to vector<16xf32>
        %eq3A_648 = arith.constant 0.000000e+00 : f32
        %eq3A_649 = vector.broadcast %eq3A_648 : f32 to vector<16xf32>
        %eq3A_650 = arith.cmpf oeq, %get3A_647, %eq3A_649 : vector<16xf32>
        %sub3A_651 = arith.subf %get3A_641, %get3A_647 : vector<16xf32>
        %mul3A_652 = arith.mulf %sub3A_651, %sub3A_651 : vector<16xf32>
        %jit3A_653 = arith.constant 0.000000e+00 : f32
        %broadcast_in_dim3A_654 = vector.broadcast %jit3A_653 : f32 to vector<16xf32>
        %select_n3A_655 = arith.select %eq3A_650, %mul3A_652, %broadcast_in_dim3A_654 : vector<16xi1>, vector<16xf32>
        %add3A_656 = arith.addf %add3A_624, %select_n3A_655 : vector<16xf32>
        %abs3A_657 = math.absf %sub3A_651 : vector<16xf32>
        %jit3A_658 = arith.constant 0.000000e+00 : f32
        %broadcast_in_dim3A_659 = vector.broadcast %jit3A_658 : f32 to vector<16xf32>
        %select_n3A_660 = arith.select %eq3A_650, %broadcast_in_dim3A_659, %abs3A_657 : vector<16xi1>, vector<16xf32>
        %add3A_661 = arith.addf %add3A_629, %select_n3A_660 : vector<16xf32>
        %jit3A_662 = arith.constant 1.000000e+00 : f32
        %jit3A_663 = arith.constant 0.000000e+00 : f32
        %broadcast_in_dim3A_664 = vector.broadcast %jit3A_662 : f32 to vector<16xf32>
        %broadcast_in_dim3A_665 = vector.broadcast %jit3A_663 : f32 to vector<16xf32>
        %select_n3A_666 = arith.select %eq3A_650, %broadcast_in_dim3A_664, %broadcast_in_dim3A_665 : vector<16xi1>, vector<16xf32>
        %add3A_667 = arith.addf %add3A_635, %select_n3A_666 : vector<16xf32>
        %get3A_668 = arith.constant 1 : i32
        %get3A_669 = arith.index_cast %get3A_668 : i32 to index
        %get3A_670 = arith.index_cast %scan3A_378 : i32 to index
        %get3A_671 = arith.constant 144 : index
        %get3A_672 = tpu.vector_load %arg5[%get3A_669, %get3A_670, %get3A_671] {strides = array<i32>} : memref<2x112x224xf32, #tpu.memory_space<vmem>>, vector<1x1x16xf32>,
        %get3A_673 = vector.shape_cast %get3A_672 : vector<1x1x16xf32> to vector<16xf32>
        %get3A_674 = arith.constant 1 : i32
        %get3A_675 = arith.index_cast %get3A_674 : i32 to index
        %get3A_676 = arith.index_cast %scan3A_378 : i32 to index
        %get3A_677 = arith.constant 144 : index
        %get3A_678 = tpu.vector_load %arg6[%get3A_675, %get3A_676, %get3A_677] {strides = array<i32>} : memref<2x112x224xf32, #tpu.memory_space<vmem>>, vector<1x1x16xf32>,
        %get3A_679 = vector.shape_cast %get3A_678 : vector<1x1x16xf32> to vector<16xf32>
        %eq3A_680 = arith.constant 0.000000e+00 : f32
        %eq3A_681 = vector.broadcast %eq3A_680 : f32 to vector<16xf32>
        %eq3A_682 = arith.cmpf oeq, %get3A_679, %eq3A_681 : vector<16xf32>
        %sub3A_683 = arith.subf %get3A_673, %get3A_679 : vector<16xf32>
        %mul3A_684 = arith.mulf %sub3A_683, %sub3A_683 : vector<16xf32>
        %jit3A_685 = arith.constant 0.000000e+00 : f32
        %broadcast_in_dim3A_686 = vector.broadcast %jit3A_685 : f32 to vector<16xf32>
        %select_n3A_687 = arith.select %eq3A_682, %mul3A_684, %broadcast_in_dim3A_686 : vector<16xi1>, vector<16xf32>
        %add3A_688 = arith.addf %add3A_656, %select_n3A_687 : vector<16xf32>
        %abs3A_689 = math.absf %sub3A_683 : vector<16xf32>
        %jit3A_690 = arith.constant 0.000000e+00 : f32
        %broadcast_in_dim3A_691 = vector.broadcast %jit3A_690 : f32 to vector<16xf32>
        %select_n3A_692 = arith.select %eq3A_682, %broadcast_in_dim3A_691, %abs3A_689 : vector<16xi1>, vector<16xf32>
        %add3A_693 = arith.addf %add3A_661, %select_n3A_692 : vector<16xf32>
        %jit3A_694 = arith.constant 1.000000e+00 : f32
        %jit3A_695 = arith.constant 0.000000e+00 : f32
        %broadcast_in_dim3A_696 = vector.broadcast %jit3A_694 : f32 to vector<16xf32>
        %broadcast_in_dim3A_697 = vector.broadcast %jit3A_695 : f32 to vector<16xf32>
        %select_n3A_698 = arith.select %eq3A_682, %broadcast_in_dim3A_696, %broadcast_in_dim3A_697 : vector<16xi1>, vector<16xf32>
        %add3A_699 = arith.addf %add3A_667, %select_n3A_698 : vector<16xf32>
        %get3A_700 = arith.constant 1 : i32
        %get3A_701 = arith.index_cast %get3A_700 : i32 to index
        %get3A_702 = arith.index_cast %scan3A_378 : i32 to index
        %get3A_703 = arith.constant 160 : index
        %get3A_704 = tpu.vector_load %arg5[%get3A_701, %get3A_702, %get3A_703] {strides = array<i32>} : memref<2x112x224xf32, #tpu.memory_space<vmem>>, vector<1x1x16xf32>,
        %get3A_705 = vector.shape_cast %get3A_704 : vector<1x1x16xf32> to vector<16xf32>
        %get3A_706 = arith.constant 1 : i32
        %get3A_707 = arith.index_cast %get3A_706 : i32 to index
        %get3A_708 = arith.index_cast %scan3A_378 : i32 to index
        %get3A_709 = arith.constant 160 : index
        %get3A_710 = tpu.vector_load %arg6[%get3A_707, %get3A_708, %get3A_709] {strides = array<i32>} : memref<2x112x224xf32, #tpu.memory_space<vmem>>, vector<1x1x16xf32>,
        %get3A_711 = vector.shape_cast %get3A_710 : vector<1x1x16xf32> to vector<16xf32>
        %eq3A_712 = arith.constant 0.000000e+00 : f32
        %eq3A_713 = vector.broadcast %eq3A_712 : f32 to vector<16xf32>
        %eq3A_714 = arith.cmpf oeq, %get3A_711, %eq3A_713 : vector<16xf32>
        %sub3A_715 = arith.subf %get3A_705, %get3A_711 : vector<16xf32>
        %mul3A_716 = arith.mulf %sub3A_715, %sub3A_715 : vector<16xf32>
        %jit3A_717 = arith.constant 0.000000e+00 : f32
        %broadcast_in_dim3A_718 = vector.broadcast %jit3A_717 : f32 to vector<16xf32>
        %select_n3A_719 = arith.select %eq3A_714, %mul3A_716, %broadcast_in_dim3A_718 : vector<16xi1>, vector<16xf32>
        %add3A_720 = arith.addf %add3A_688, %select_n3A_719 : vector<16xf32>
        %abs3A_721 = math.absf %sub3A_715 : vector<16xf32>
        %jit3A_722 = arith.constant 0.000000e+00 : f32
        %broadcast_in_dim3A_723 = vector.broadcast %jit3A_722 : f32 to vector<16xf32>
        %select_n3A_724 = arith.select %eq3A_714, %broadcast_in_dim3A_723, %abs3A_721 : vector<16xi1>, vector<16xf32>
        %add3A_725 = arith.addf %add3A_693, %select_n3A_724 : vector<16xf32>
        %jit3A_726 = arith.constant 1.000000e+00 : f32
        %jit3A_727 = arith.constant 0.000000e+00 : f32
        %broadcast_in_dim3A_728 = vector.broadcast %jit3A_726 : f32 to vector<16xf32>
        %broadcast_in_dim3A_729 = vector.broadcast %jit3A_727 : f32 to vector<16xf32>
        %select_n3A_730 = arith.select %eq3A_714, %broadcast_in_dim3A_728, %broadcast_in_dim3A_729 : vector<16xi1>, vector<16xf32>
        %add3A_731 = arith.addf %add3A_699, %select_n3A_730 : vector<16xf32>
        %get3A_732 = arith.constant 1 : i32
        %get3A_733 = arith.index_cast %get3A_732 : i32 to index
        %get3A_734 = arith.index_cast %scan3A_378 : i32 to index
        %get3A_735 = arith.constant 176 : index
        %get3A_736 = tpu.vector_load %arg5[%get3A_733, %get3A_734, %get3A_735] {strides = array<i32>} : memref<2x112x224xf32, #tpu.memory_space<vmem>>, vector<1x1x16xf32>,
        %get3A_737 = vector.shape_cast %get3A_736 : vector<1x1x16xf32> to vector<16xf32>
        %get3A_738 = arith.constant 1 : i32
        %get3A_739 = arith.index_cast %get3A_738 : i32 to index
        %get3A_740 = arith.index_cast %scan3A_378 : i32 to index
        %get3A_741 = arith.constant 176 : index
        %get3A_742 = tpu.vector_load %arg6[%get3A_739, %get3A_740, %get3A_741] {strides = array<i32>} : memref<2x112x224xf32, #tpu.memory_space<vmem>>, vector<1x1x16xf32>,
        %get3A_743 = vector.shape_cast %get3A_742 : vector<1x1x16xf32> to vector<16xf32>
        %eq3A_744 = arith.constant 0.000000e+00 : f32
        %eq3A_745 = vector.broadcast %eq3A_744 : f32 to vector<16xf32>
        %eq3A_746 = arith.cmpf oeq, %get3A_743, %eq3A_745 : vector<16xf32>
        %sub3A_747 = arith.subf %get3A_737, %get3A_743 : vector<16xf32>
        %mul3A_748 = arith.mulf %sub3A_747, %sub3A_747 : vector<16xf32>
        %jit3A_749 = arith.constant 0.000000e+00 : f32
        %broadcast_in_dim3A_750 = vector.broadcast %jit3A_749 : f32 to vector<16xf32>
        %select_n3A_751 = arith.select %eq3A_746, %mul3A_748, %broadcast_in_dim3A_750 : vector<16xi1>, vector<16xf32>
        %add3A_752 = arith.addf %add3A_720, %select_n3A_751 : vector<16xf32>
        %abs3A_753 = math.absf %sub3A_747 : vector<16xf32>
        %jit3A_754 = arith.constant 0.000000e+00 : f32
        %broadcast_in_dim3A_755 = vector.broadcast %jit3A_754 : f32 to vector<16xf32>
        %select_n3A_756 = arith.select %eq3A_746, %broadcast_in_dim3A_755, %abs3A_753 : vector<16xi1>, vector<16xf32>
        %add3A_757 = arith.addf %add3A_725, %select_n3A_756 : vector<16xf32>
        %jit3A_758 = arith.constant 1.000000e+00 : f32
        %jit3A_759 = arith.constant 0.000000e+00 : f32
        %broadcast_in_dim3A_760 = vector.broadcast %jit3A_758 : f32 to vector<16xf32>
        %broadcast_in_dim3A_761 = vector.broadcast %jit3A_759 : f32 to vector<16xf32>
        %select_n3A_762 = arith.select %eq3A_746, %broadcast_in_dim3A_760, %broadcast_in_dim3A_761 : vector<16xi1>, vector<16xf32>
        %add3A_763 = arith.addf %add3A_731, %select_n3A_762 : vector<16xf32>
        %get3A_764 = arith.constant 1 : i32
        %get3A_765 = arith.index_cast %get3A_764 : i32 to index
        %get3A_766 = arith.index_cast %scan3A_378 : i32 to index
        %get3A_767 = arith.constant 192 : index
        %get3A_768 = tpu.vector_load %arg5[%get3A_765, %get3A_766, %get3A_767] {strides = array<i32>} : memref<2x112x224xf32, #tpu.memory_space<vmem>>, vector<1x1x16xf32>,
        %get3A_769 = vector.shape_cast %get3A_768 : vector<1x1x16xf32> to vector<16xf32>
        %get3A_770 = arith.constant 1 : i32
        %get3A_771 = arith.index_cast %get3A_770 : i32 to index
        %get3A_772 = arith.index_cast %scan3A_378 : i32 to index
        %get3A_773 = arith.constant 192 : index
        %get3A_774 = tpu.vector_load %arg6[%get3A_771, %get3A_772, %get3A_773] {strides = array<i32>} : memref<2x112x224xf32, #tpu.memory_space<vmem>>, vector<1x1x16xf32>,
        %get3A_775 = vector.shape_cast %get3A_774 : vector<1x1x16xf32> to vector<16xf32>
        %eq3A_776 = arith.constant 0.000000e+00 : f32
        %eq3A_777 = vector.broadcast %eq3A_776 : f32 to vector<16xf32>
        %eq3A_778 = arith.cmpf oeq, %get3A_775, %eq3A_777 : vector<16xf32>
        %sub3A_779 = arith.subf %get3A_769, %get3A_775 : vector<16xf32>
        %mul3A_780 = arith.mulf %sub3A_779, %sub3A_779 : vector<16xf32>
        %jit3A_781 = arith.constant 0.000000e+00 : f32
        %broadcast_in_dim3A_782 = vector.broadcast %jit3A_781 : f32 to vector<16xf32>
        %select_n3A_783 = arith.select %eq3A_778, %mul3A_780, %broadcast_in_dim3A_782 : vector<16xi1>, vector<16xf32>
        %add3A_784 = arith.addf %add3A_752, %select_n3A_783 : vector<16xf32>
        %abs3A_785 = math.absf %sub3A_779 : vector<16xf32>
        %jit3A_786 = arith.constant 0.000000e+00 : f32
        %broadcast_in_dim3A_787 = vector.broadcast %jit3A_786 : f32 to vector<16xf32>
        %select_n3A_788 = arith.select %eq3A_778, %broadcast_in_dim3A_787, %abs3A_785 : vector<16xi1>, vector<16xf32>
        %add3A_789 = arith.addf %add3A_757, %select_n3A_788 : vector<16xf32>
        %jit3A_790 = arith.constant 1.000000e+00 : f32
        %jit3A_791 = arith.constant 0.000000e+00 : f32
        %broadcast_in_dim3A_792 = vector.broadcast %jit3A_790 : f32 to vector<16xf32>
        %broadcast_in_dim3A_793 = vector.broadcast %jit3A_791 : f32 to vector<16xf32>
        %select_n3A_794 = arith.select %eq3A_778, %broadcast_in_dim3A_792, %broadcast_in_dim3A_793 : vector<16xi1>, vector<16xf32>
        %add3A_795 = arith.addf %add3A_763, %select_n3A_794 : vector<16xf32>
        %get3A_796 = arith.constant 1 : i32
        %get3A_797 = arith.index_cast %get3A_796 : i32 to index
        %get3A_798 = arith.index_cast %scan3A_378 : i32 to index
        %get3A_799 = arith.constant 208 : index
        %get3A_800 = tpu.vector_load %arg5[%get3A_797, %get3A_798, %get3A_799] {strides = array<i32>} : memref<2x112x224xf32, #tpu.memory_space<vmem>>, vector<1x1x16xf32>,
        %get3A_801 = vector.shape_cast %get3A_800 : vector<1x1x16xf32> to vector<16xf32>
        %get3A_802 = arith.constant 1 : i32
        %get3A_803 = arith.index_cast %get3A_802 : i32 to index
        %get3A_804 = arith.index_cast %scan3A_378 : i32 to index
        %get3A_805 = arith.constant 208 : index
        %get3A_806 = tpu.vector_load %arg6[%get3A_803, %get3A_804, %get3A_805] {strides = array<i32>} : memref<2x112x224xf32, #tpu.memory_space<vmem>>, vector<1x1x16xf32>,
        %get3A_807 = vector.shape_cast %get3A_806 : vector<1x1x16xf32> to vector<16xf32>
        %eq3A_808 = arith.constant 0.000000e+00 : f32
        %eq3A_809 = vector.broadcast %eq3A_808 : f32 to vector<16xf32>
        %eq3A_810 = arith.cmpf oeq, %get3A_807, %eq3A_809 : vector<16xf32>
        %sub3A_811 = arith.subf %get3A_801, %get3A_807 : vector<16xf32>
        %mul3A_812 = arith.mulf %sub3A_811, %sub3A_811 : vector<16xf32>
        %jit3A_813 = arith.constant 0.000000e+00 : f32
        %broadcast_in_dim3A_814 = vector.broadcast %jit3A_813 : f32 to vector<16xf32>
        %select_n3A_815 = arith.select %eq3A_810, %mul3A_812, %broadcast_in_dim3A_814 : vector<16xi1>, vector<16xf32>
        %add3A_816 = arith.addf %add3A_784, %select_n3A_815 : vector<16xf32>
        %abs3A_817 = math.absf %sub3A_811 : vector<16xf32>
        %jit3A_818 = arith.constant 0.000000e+00 : f32
        %broadcast_in_dim3A_819 = vector.broadcast %jit3A_818 : f32 to vector<16xf32>
        %select_n3A_820 = arith.select %eq3A_810, %broadcast_in_dim3A_819, %abs3A_817 : vector<16xi1>, vector<16xf32>
        %add3A_821 = arith.addf %add3A_789, %select_n3A_820 : vector<16xf32>
        %jit3A_822 = arith.constant 1.000000e+00 : f32
        %jit3A_823 = arith.constant 0.000000e+00 : f32
        %broadcast_in_dim3A_824 = vector.broadcast %jit3A_822 : f32 to vector<16xf32>
        %broadcast_in_dim3A_825 = vector.broadcast %jit3A_823 : f32 to vector<16xf32>
        %select_n3A_826 = arith.select %eq3A_810, %broadcast_in_dim3A_824, %broadcast_in_dim3A_825 : vector<16xi1>, vector<16xf32>
        %add3A_827 = arith.addf %add3A_795, %select_n3A_826 : vector<16xf32>
        scf.yield %add3A_816, %add3A_821, %add3A_827 : vector<16xf32>, vector<16xf32>, vector<16xf32>
      }
      %scan3A_377 = arith.constant 112 : i32
      scf.yield %scan3A_376#0, %scan3A_376#1, %scan3A_376#2 : vector<16xf32>, vector<16xf32>, vector<16xf32>
    }
    %scan3A_95 = arith.constant 2 : i32
    %swap3A = arith.constant 0 : i32
    %swap3A_96 = arith.index_cast %swap3A : i32 to index
    %swap3A_97 = arith.constant 0 : index
    %swap3A_98 = tpu.vector_load %arg7[%swap3A_96, %swap3A_97] {strides = array<i32>} : memref<3x16xf32, #tpu.memory_space<vmem>>, vector<1x16xf32>,
    %swap3A_99 = vector.shape_cast %swap3A_98 : vector<1x16xf32> to vector<16xf32>
    %swap3A_100 = vector.shape_cast %scan3A_94#0 : vector<16xf32> to vector<1x16xf32>
    tpu.vector_store %arg7[%swap3A_96, %swap3A_97], %swap3A_100 {strides = array<i32>} : memref<3x16xf32, #tpu.memory_space<vmem>>, vector<1x16xf32>,
    %swap3A_101 = arith.constant 1 : i32
    %swap3A_102 = arith.index_cast %swap3A_101 : i32 to index
    %swap3A_103 = arith.constant 0 : index
    %swap3A_104 = tpu.vector_load %arg7[%swap3A_102, %swap3A_103] {strides = array<i32>} : memref<3x16xf32, #tpu.memory_space<vmem>>, vector<1x16xf32>,
    %swap3A_105 = vector.shape_cast %swap3A_104 : vector<1x16xf32> to vector<16xf32>
    %swap3A_106 = vector.shape_cast %scan3A_94#1 : vector<16xf32> to vector<1x16xf32>
    tpu.vector_store %arg7[%swap3A_102, %swap3A_103], %swap3A_106 {strides = array<i32>} : memref<3x16xf32, #tpu.memory_space<vmem>>, vector<1x16xf32>,
    %swap3A_107 = arith.constant 2 : i32
    %swap3A_108 = arith.index_cast %swap3A_107 : i32 to index
    %swap3A_109 = arith.constant 0 : index
    %swap3A_110 = tpu.vector_load %arg7[%swap3A_108, %swap3A_109] {strides = array<i32>} : memref<3x16xf32, #tpu.memory_space<vmem>>, vector<1x16xf32>,
    %swap3A_111 = vector.shape_cast %swap3A_110 : vector<1x16xf32> to vector<16xf32>
    %swap3A_112 = vector.shape_cast %scan3A_94#2 : vector<16xf32> to vector<1x16xf32>
    tpu.vector_store %arg7[%swap3A_108, %swap3A_109], %swap3A_112 {strides = array<i32>} : memref<3x16xf32, #tpu.memory_space<vmem>>, vector<1x16xf32>,
    "tpu.region"() ({
      %run_scoped3A = tpu.sem_alloc : memref<!tpu.dma_semaphore, #tpu.memory_space<semaphore_mem>>
      %dma_start3A_113 = arith.constant 0 : i32
      %dma_start3A_114 = arith.constant 0 : i32
      %dma_start3A_115 = tpu.memref_slice %arg4[%add3A, %dma_start3A_113, %dma_start3A_114] : memref<32x3x16xf32, #tpu.memory_space<hbm>> -> memref<1x3x16xf32, #tpu.memory_space<hbm>>
      %dma_start3A_116 = tpu.memref_squeeze %dma_start3A_115 : memref<1x3x16xf32, #tpu.memory_space<hbm>> -> memref<3x16xf32, #tpu.memory_space<hbm>>
      %dma_start3A_117 = arith.constant 0 : i32
      %dma_start3A_118 = arith.constant 0 : i32
      %dma_start3A_119 = tpu.memref_slice %arg4[%add3A, %dma_start3A_117, %dma_start3A_118] : memref<32x3x16xf32, #tpu.memory_space<hbm>> -> memref<1x3x16xf32, #tpu.memory_space<hbm>>
      %dma_start3A_120 = tpu.memref_squeeze %dma_start3A_119 : memref<1x3x16xf32, #tpu.memory_space<hbm>> -> memref<3x16xf32, #tpu.memory_space<hbm>>
      tpu.enqueue_dma source(%arg7 : memref<3x16xf32, #tpu.memory_space<vmem>>) target(%dma_start3A_120 : memref<3x16xf32, #tpu.memory_space<hbm>>) target_semaphore(%run_scoped3A : memref<!tpu.dma_semaphore, #tpu.memory_space<semaphore_mem>>)
      %dma_wait3A = arith.constant 0 : i32
      %dma_wait3A_121 = arith.constant 0 : i32
      %dma_wait3A_122 = tpu.memref_slice %arg4[%add3A, %dma_wait3A, %dma_wait3A_121] : memref<32x3x16xf32, #tpu.memory_space<hbm>> -> memref<1x3x16xf32, #tpu.memory_space<hbm>>
      %dma_wait3A_123 = tpu.memref_squeeze %dma_wait3A_122 : memref<1x3x16xf32, #tpu.memory_space<hbm>> -> memref<3x16xf32, #tpu.memory_space<hbm>>
      %dma_wait3A_124 = arith.constant 0 : i32
      %dma_wait3A_125 = arith.constant 0 : i32
      %dma_wait3A_126 = tpu.memref_slice %arg4[%add3A, %dma_wait3A_124, %dma_wait3A_125] : memref<32x3x16xf32, #tpu.memory_space<hbm>> -> memref<1x3x16xf32, #tpu.memory_space<hbm>>
      %dma_wait3A_127 = tpu.memref_squeeze %dma_wait3A_126 : memref<1x3x16xf32, #tpu.memory_space<hbm>> -> memref<3x16xf32, #tpu.memory_space<hbm>>
      tpu.wait_dma2 semaphore(%run_scoped3A : memref<!tpu.dma_semaphore, #tpu.memory_space<semaphore_mem>>) src(%arg7 : memref<3x16xf32, #tpu.memory_space<vmem>>) dst(%dma_wait3A_127 : memref<3x16xf32, #tpu.memory_space<hbm>>)
      tpu.yield
    }) : () -> ()
    return
  }
}

module attributes {stable_mosaic.version = 14 : i64} {
  func.func @_tc_body(%arg0: i32, %arg1: memref<16x224x224xf32, #tpu.memory_space<vmem>>, %arg2: memref<16x224x224xf32, #tpu.memory_space<vmem>>, %arg3: memref<3xf32, #tpu.memory_space<smem>>, %arg4: memref<3xf32, #tpu.memory_space<smem>>) attributes {dimension_semantics = [#tpu.dimension_semantics<arbitrary>], iteration_bounds = array<i64: 20>, scalar_prefetch = 0 : i64, scratch_operands = 1 : i64, tpu.core_type = #tpu.core_type<tc>, window_params = [{transform_indices = @transform_0, window_bounds = array<i64: 16, 224, 224>}, {transform_indices = @transform_1, window_bounds = array<i64: 16, 224, 224>}, {transform_indices = @transform_2, window_bounds = array<i64: 3>}]} {
    %get3A = arith.constant 0 : index
    %get3A_0 = arith.constant 0 : index
    %get3A_1 = arith.constant 0 : index
    %get3A_2 = vector.load %arg2[%get3A, %get3A_0, %get3A_1] : memref<16x224x224xf32, #tpu.memory_space<vmem>>, vector<16x224x224xf32>
    %get3A_3 = arith.constant 0 : index
    %get3A_4 = arith.constant 0 : index
    %get3A_5 = arith.constant 0 : index
    %get3A_6 = vector.load %arg1[%get3A_3, %get3A_4, %get3A_5] : memref<16x224x224xf32, #tpu.memory_space<vmem>>, vector<16x224x224xf32>
    %eq3A = arith.constant 0.000000e+00 : f32
    %eq3A_7 = vector.broadcast %eq3A : f32 to vector<16x224x224xf32>
    %eq3A_8 = arith.cmpf oeq, %get3A_2, %eq3A_7 : vector<16x224x224xf32>
    %sub3A = arith.subf %get3A_6, %get3A_2 : vector<16x224x224xf32>
    %mul3A = arith.mulf %sub3A, %sub3A : vector<16x224x224xf32>
    %jit3A = arith.constant 0.000000e+00 : f32
    %broadcast_in_dim3A = vector.broadcast %jit3A : f32 to vector<16x224x224xf32>
    %select_n3A = arith.select %eq3A_8, %mul3A, %broadcast_in_dim3A : vector<16x224x224xi1>, vector<16x224x224xf32>
    %reduce_sum3A = vector.shape_cast %select_n3A : vector<16x224x224xf32> to vector<1x16x224x224xf32>
    %reduce_sum3A_9 = arith.constant dense<0.000000e+00> : vector<1xf32>
    %reduce_sum3A_10 = vector.multi_reduction <add>, %reduce_sum3A, %reduce_sum3A_9 [1, 2, 3] : vector<1x16x224x224xf32> to vector<1xf32>
    %reduce_sum3A_11 = vector.shape_cast %reduce_sum3A_10 : vector<1xf32> to vector<1x1x1x1xf32>
    %reduce_sum3A_12 = vector.extract %reduce_sum3A_11[0, 0, 0, 0] : f32 from vector<1x1x1x1xf32>
    %abs3A = math.absf %sub3A : vector<16x224x224xf32>
    %jit3A_13 = arith.constant 0.000000e+00 : f32
    %broadcast_in_dim3A_14 = vector.broadcast %jit3A_13 : f32 to vector<16x224x224xf32>
    %select_n3A_15 = arith.select %eq3A_8, %broadcast_in_dim3A_14, %abs3A : vector<16x224x224xi1>, vector<16x224x224xf32>
    %reduce_sum3A_16 = vector.shape_cast %select_n3A_15 : vector<16x224x224xf32> to vector<1x16x224x224xf32>
    %reduce_sum3A_17 = arith.constant dense<0.000000e+00> : vector<1xf32>
    %reduce_sum3A_18 = vector.multi_reduction <add>, %reduce_sum3A_16, %reduce_sum3A_17 [1, 2, 3] : vector<1x16x224x224xf32> to vector<1xf32>
    %reduce_sum3A_19 = vector.shape_cast %reduce_sum3A_18 : vector<1xf32> to vector<1x1x1x1xf32>
    %reduce_sum3A_20 = vector.extract %reduce_sum3A_19[0, 0, 0, 0] : f32 from vector<1x1x1x1xf32>
    %convert_element_type3A = arith.extui %eq3A_8 : vector<16x224x224xi1> to vector<16x224x224xi32>
    %convert_element_type3A_21 = arith.sitofp %convert_element_type3A : vector<16x224x224xi32> to vector<16x224x224xf32>
    %reduce_sum3A_22 = vector.shape_cast %convert_element_type3A_21 : vector<16x224x224xf32> to vector<1x16x224x224xf32>
    %reduce_sum3A_23 = arith.constant dense<0.000000e+00> : vector<1xf32>
    %reduce_sum3A_24 = vector.multi_reduction <add>, %reduce_sum3A_22, %reduce_sum3A_23 [1, 2, 3] : vector<1x16x224x224xf32> to vector<1xf32>
    %reduce_sum3A_25 = vector.shape_cast %reduce_sum3A_24 : vector<1xf32> to vector<1x1x1x1xf32>
    %reduce_sum3A_26 = vector.extract %reduce_sum3A_25[0, 0, 0, 0] : f32 from vector<1x1x1x1xf32>
    %eq3A_27 = arith.constant 0 : i32
    %eq3A_28 = arith.cmpi eq, %arg0, %eq3A_27 : i32
    %convert_element_type3A_29 = arith.extui %eq3A_28 : i1 to i32
    %cond3A = arith.constant 0 : i32
    %cond3A_30 = arith.cmpi ne, %convert_element_type3A_29, %cond3A : i32
    scf.if %cond3A_30 {
      %swap3A_49 = arith.constant 0.000000e+00 : f32
      %swap3A_50 = arith.constant 0 : index
      %swap3A_51 = memref.load %arg4[%swap3A_50] : memref<3xf32, #tpu.memory_space<smem>>
      memref.store %swap3A_49, %arg4[%swap3A_50] : memref<3xf32, #tpu.memory_space<smem>>
      %swap3A_52 = arith.constant 0.000000e+00 : f32
      %swap3A_53 = arith.constant 1 : index
      %swap3A_54 = memref.load %arg4[%swap3A_53] : memref<3xf32, #tpu.memory_space<smem>>
      memref.store %swap3A_52, %arg4[%swap3A_53] : memref<3xf32, #tpu.memory_space<smem>>
      %swap3A_55 = arith.constant 0.000000e+00 : f32
      %swap3A_56 = arith.constant 2 : index
      %swap3A_57 = memref.load %arg4[%swap3A_56] : memref<3xf32, #tpu.memory_space<smem>>
      memref.store %swap3A_55, %arg4[%swap3A_56] : memref<3xf32, #tpu.memory_space<smem>>
    } else {
    }
    %get3A_31 = arith.constant 0 : index
    %get3A_32 = memref.load %arg4[%get3A_31] : memref<3xf32, #tpu.memory_space<smem>>
    %add3A = arith.addf %get3A_32, %reduce_sum3A_12 : f32
    %swap3A = arith.constant 0 : index
    %swap3A_33 = memref.load %arg4[%swap3A] : memref<3xf32, #tpu.memory_space<smem>>
    memref.store %add3A, %arg4[%swap3A] : memref<3xf32, #tpu.memory_space<smem>>
    %get3A_34 = arith.constant 1 : index
    %get3A_35 = memref.load %arg4[%get3A_34] : memref<3xf32, #tpu.memory_space<smem>>
    %add3A_36 = arith.addf %get3A_35, %reduce_sum3A_20 : f32
    %swap3A_37 = arith.constant 1 : index
    %swap3A_38 = memref.load %arg4[%swap3A_37] : memref<3xf32, #tpu.memory_space<smem>>
    memref.store %add3A_36, %arg4[%swap3A_37] : memref<3xf32, #tpu.memory_space<smem>>
    %get3A_39 = arith.constant 2 : index
    %get3A_40 = memref.load %arg4[%get3A_39] : memref<3xf32, #tpu.memory_space<smem>>
    %add3A_41 = arith.addf %get3A_40, %reduce_sum3A_26 : f32
    %swap3A_42 = arith.constant 2 : index
    %swap3A_43 = memref.load %arg4[%swap3A_42] : memref<3xf32, #tpu.memory_space<smem>>
    memref.store %add3A_41, %arg4[%swap3A_42] : memref<3xf32, #tpu.memory_space<smem>>
    %eq3A_44 = arith.constant 19 : i32
    %eq3A_45 = arith.cmpi eq, %arg0, %eq3A_44 : i32
    %convert_element_type3A_46 = arith.extui %eq3A_45 : i1 to i32
    %cond3A_47 = arith.constant 0 : i32
    %cond3A_48 = arith.cmpi ne, %convert_element_type3A_46, %cond3A_47 : i32
    scf.if %cond3A_48 {
      %get3A_49 = arith.constant 0 : index
      %get3A_50 = memref.load %arg4[%get3A_49] : memref<3xf32, #tpu.memory_space<smem>>
      %swap3A_51 = arith.constant 0 : index
      %swap3A_52 = memref.load %arg3[%swap3A_51] : memref<3xf32, #tpu.memory_space<smem>>
      memref.store %get3A_50, %arg3[%swap3A_51] : memref<3xf32, #tpu.memory_space<smem>>
      %get3A_53 = arith.constant 1 : index
      %get3A_54 = memref.load %arg4[%get3A_53] : memref<3xf32, #tpu.memory_space<smem>>
      %swap3A_55 = arith.constant 1 : index
      %swap3A_56 = memref.load %arg3[%swap3A_55] : memref<3xf32, #tpu.memory_space<smem>>
      memref.store %get3A_54, %arg3[%swap3A_55] : memref<3xf32, #tpu.memory_space<smem>>
      %get3A_57 = arith.constant 2 : index
      %get3A_58 = memref.load %arg4[%get3A_57] : memref<3xf32, #tpu.memory_space<smem>>
      %swap3A_59 = arith.constant 2 : index
      %swap3A_60 = memref.load %arg3[%swap3A_59] : memref<3xf32, #tpu.memory_space<smem>>
      memref.store %get3A_58, %arg3[%swap3A_59] : memref<3xf32, #tpu.memory_space<smem>>
    } else {
    }
    return
  }
  func.func @transform_0(%arg0: i32) -> (i32, i32, i32) {
    %add3A = arith.constant 4 : i32
    %add3A_0 = arith.addi %arg0, %add3A : i32
    %c0_i32 = arith.constant 0 : i32
    %c0_i32_1 = arith.constant 0 : i32
    %c0_i32_2 = arith.constant 0 : i32
    return %add3A_0, %c0_i32, %c0_i32_1 : i32, i32, i32
  }
  func.func @transform_1(%arg0: i32) -> (i32, i32, i32) {
    %add3A = arith.constant 4 : i32
    %add3A_0 = arith.addi %arg0, %add3A : i32
    %c0_i32 = arith.constant 0 : i32
    %c0_i32_1 = arith.constant 0 : i32
    %c0_i32_2 = arith.constant 0 : i32
    return %add3A_0, %c0_i32, %c0_i32_1 : i32, i32, i32
  }
  func.func @transform_2(%arg0: i32) -> i32 {
    %c0_i32 = arith.constant 0 : i32
    %c0_i32_0 = arith.constant 0 : i32
    return %c0_i32 : i32
  }
}

</mosaic_0001>

<sc_bundles>
// kernel: kernel.4.cloned.1.call-start
scs
__scs_entry_jumppad:
0x0: {  	(pc) =	sbr.rel $0x88, $3  }
0x1: {  	(tag) =	ssettag $0x0;
	lr =	simm.s32 $0x1  }
0x2: {  	[smem:$0x3F9F] =	sst lr;
	_ =	strace $0xD0000000  }
0x3: {  	_ = 	snop  }
0x4: {  	_ = 	snop  }
0x5: {  	_ = 	snop  }
0x6: {  	_ = 	snop  }
0x7: {  	_ = 	snop  }
__scs_overlays_trampoline_lowered:
0x8: {  	[smem:$0x3FAE] =	sst s0  }
0x9: {  	[smem:$0x3FAF] =	sst s1  }
0xa: {  	[smem:$0x3FB0] =	sst s2  }
0xb: {  	[smem:$0x3FB1] =	sst s3  }
0xc: {  	[smem:$0x3FB2] =	sst s4  }
0xd: {  	[smem:$0x3FB3] =	sst s5  }
0xe: {  	[smem:$0x3FB4] =	sst s6  }
0xf: {  	[smem:$0x3FB5] =	sst s7  }
0x10: {  	[smem:$0x3FB6] =	sst s8  }
0x11: {  	[smem:$0x3FB7] =	sst s9;
	s0 =	simm.s32 @!p0 $0x0  }
0x12: {  	s1 =	sld [smem:$0x3F9D];
	s0 =	simm.s32 @p0 $0x1  }
0x13: {  	[smem:$0x3FB8] =	sst s0;
	s0 =	simm.s32 @!p1 $0x0  }
0x14: {  	s2 =	sld [smem:$0x3F9C];
	s0 =	simm.s32 @p1 $0x1  }
0x15: {  	[smem:$0x3FB9] =	sst s0;
	s0 =	simm.s32 @!p2 $0x0  }
0x16: {  	s3 =	sld [smem:$0x3FDB];
	s0 =	simm.s32 @p2 $0x1  }
0x17: {  	s4 =	simm.s32 $0x1BF5;
	[smem:$0x3FBB] =	sst s0  }
0x18: {  	s0 =	sld [smem:$0x3F9E];
	_ =	swait.ge [sflag:s4], $0x0  }
0x19: {  	s7 =	sld [smem:$0x3F9F]  }
0x1a: {  	s8 =	sadd.s32 $0xFFFFE003, lr  }
0x1b: {  	s9 =	sadd.s32 $0xFFFFFEF7, lr;
	s5 =	simm.s32 $0xFFFFFFFF;
	p2 =	slt.u32 s8, $0xFFFFF086  }
0x1c: {  	p1 =	slt.u32 s9, $0xF7A;
	s5 =	simm.s32 @!p2 $0x0  }
0x1d: {  	s5 =	simm.s32 @p1 $0x1;
	p0 =	seq.s32 s7, s2  }
0x1e: {  	s7 =	smul.u32 @!p0 $0xF7A, s2;
	p2 =	seq.s32 @!p0 s5, $0x0  }
0x1f: {  	s9 =	smul.u32 $0xF7A, s1;
	s8 =	simm.s32 @!p0 $0x1BF5;
	p2 =	por !p2, p0  }
0x20: {  	[sflag:s8] =	ssyncset.s32 @!p0 $0xFFFFF086;
	s6 =	sadd.s32 @!p0 s3, s7;
	s7 =	simm.s32 @!p0 $0x108  }
0x21: {  	s3 =	sadd.s32 s3, s9;
	s6 =	sadd.s32 @!p0 $0x88, s6;
	s7 =	simm.s32 @p2 $0x1082  }
0x22: {  	[simem:s7], [sflag:s8] =	dma.local @!p0 [hbm:s6], $0xF7A  }
0x23: {  	s9 =	sor.u32 $0xD0000000, s2;
	s6 =	simm.s32 $0x108;
	_ =	swait.ge @!p0 [sflag:s8], $0x0  }
0x24: {  	s3 =	sadd.s32 $0x88, s3;
	s6 =	simm.s32 @!p1 $0x1082;
	[sflag:s4] =	ssyncset.s32 $0xFFFFF086  }
0x25: {  	[simem:s6], [sflag:s4] =	dma.local [hbm:s3], $0xF7A  }
0x26: {  	[smem:$0x3F9F] =	sst s1;
	(tag) =	ssettag s2;
	_ =	strace s9  }
0x27: {  	s1 =	sld [smem:$0x3FAF]  }
0x28: {  	s2 =	sld [smem:$0x3FB0]  }
0x29: {  	s4 =	sld [smem:$0x3FB2]  }
0x2a: {  	p0 =	seq.s32 s5, $0x0;
	s5 =	sld [smem:$0x3FB3]  }
0x2b: {  	s6 =	sld [smem:$0x3FB4]  }
0x2c: {  	s7 =	sld [smem:$0x3FB5]  }
0x2d: {  	s3 =	simm.s32 $0x108;
	s8 =	sld [smem:$0x3FB6]  }
0x2e: {  	s3 =	simm.s32 @!p0 $0x1082;
	s9 =	sld [smem:$0x3FB7]  }
0x2f: {  	lr =	sadd.s32 s0, s3;
	s0 =	sld [smem:$0x3FAE]  }
0x30: {  	s3 =	sld [smem:$0x3FB1]  }
0x31: {  	[smem:$0x3FBA] =	sst s10  }
0x32: {  	s10 =	sld [smem:$0x3FB8];
	_ =	sdelay $0x3  }
0x33: {  	p0 =	seq.s32 s10, $0x1;
	s10 =	sld [smem:$0x3FBA];
	_ =	sdelay $0x3  }
0x34: {  	[smem:$0x3FBA] =	sst s10  }
0x35: {  	s10 =	sld [smem:$0x3FB9];
	_ =	sdelay $0x3  }
0x36: {  	p1 =	seq.s32 s10, $0x1;
	s10 =	sld [smem:$0x3FBA];
	_ =	sdelay $0x3  }
0x37: {  	[smem:$0x3FBA] =	sst s10  }
0x38: {  	s10 =	sld [smem:$0x3FBB]  }
0x39: {  	_ = 	snop;
	(pc) =	sbr.ind lr, $3  }
0x3a: {  	_ = 	snop  }
0x3b: {  	_ = 	snop  }
0x3c: {  	p2 =	seq.s32 s10, $0x1;
	s10 =	sld [smem:$0x3FBA]  }
0x3d: {  	_ =	shalt  }
0x3e: {  	_ =	shalt  }
0x3f: {  	_ =	shalt  }
0x40: {  	_ =	shalt  }
0x41: {  	_ =	shalt  }
0x42: {  	_ =	shalt  }
0x43: {  	_ =	shalt  }
0x44: {  	_ =	shalt  }
0x45: {  	_ =	shalt  }
0x46: {  	_ =	shalt  }
0x47: {  	_ =	shalt  }
0x48: {  	_ =	shalt  }
0x49: {  	_ =	shalt  }
0x4a: {  	_ =	shalt  }
0x4b: {  	_ =	shalt  }
0x4c: {  	_ =	shalt  }
0x4d: {  	_ =	shalt  }
0x4e: {  	_ =	shalt  }
0x4f: {  	_ =	shalt  }
0x50: {  	_ =	shalt  }
0x51: {  	_ =	shalt  }
0x52: {  	_ =	shalt  }
0x53: {  	_ =	shalt  }
0x54: {  	_ =	shalt  }
0x55: {  	_ =	shalt  }
0x56: {  	_ =	shalt  }
0x57: {  	_ =	shalt  }
0x58: {  	_ =	shalt  }
0x59: {  	_ =	shalt  }
0x5a: {  	_ =	shalt  }
0x5b: {  	_ =	shalt  }
0x5c: {  	_ =	shalt  }
0x5d: {  	_ =	shalt  }
0x5e: {  	_ =	shalt  }
0x5f: {  	_ =	shalt  }
0x60: {  	_ =	shalt  }
0x61: {  	_ =	shalt  }
0x62: {  	_ =	shalt  }
0x63: {  	_ =	shalt  }
0x64: {  	_ =	shalt  }
0x65: {  	_ =	shalt  }
0x66: {  	_ =	shalt  }
0x67: {  	_ =	shalt  }
0x68: {  	_ =	shalt  }
0x69: {  	_ =	shalt  }
0x6a: {  	_ =	shalt  }
0x6b: {  	_ =	shalt  }
0x6c: {  	_ =	shalt  }
0x6d: {  	_ =	shalt  }
0x6e: {  	_ =	shalt  }
0x6f: {  	_ =	shalt  }
0x70: {  	_ =	shalt  }
0x71: {  	_ =	shalt  }
0x72: {  	_ =	shalt  }
0x73: {  	_ =	shalt  }
0x74: {  	_ =	shalt  }
0x75: {  	_ =	shalt  }
0x76: {  	_ =	shalt  }
0x77: {  	_ =	shalt  }
0x78: {  	_ =	shalt  }
0x79: {  	_ =	shalt  }
0x7a: {  	_ =	shalt  }
0x7b: {  	_ =	shalt  }
0x7c: {  	_ =	shalt  }
0x7d: {  	_ =	shalt  }
0x7e: {  	_ =	shalt  }
0x7f: {  	_ =	shalt  }
0x80: {  	_ =	shalt  }
0x81: {  	_ =	shalt  }
0x82: {  	_ =	shalt  }
0x83: {  	_ =	shalt  }
0x84: {  	_ =	shalt  }
0x85: {  	_ =	shalt  }
0x86: {  	_ =	shalt  }
0x87: {  	_ =	shalt  }
.Lfunc_end0:
.L_simem_size_0:
called_computation_lowered:
.L_overlay_start_0:
0x88: {  	s2 =	sld [smem:$0x3FD9]  }
0x89: {  	s3 =	sld [smem:$0x3FFE];
	_ =	sdelay $0x1  }
0x8a: {  	s1 =	srdreg.scid  }
0x8b: {  	s0 =	sand.u32 $0x1, s1  }
0x8c: {  	s17 =	sshll.u32 s0, $0xA;
	s2 =	sadd.s32 s3, s2  }
0x8d: {  	s2 =	sadd.s32 s2, s17  }
0x8e: {  	[smem:$0x3FC6] =	sst s2  }
0x8f: {  	_ = 	snop  }
0x90: {  	s2 =	sld [smem:$0x3FC9]  }
0x91: {  	s18 =	sld [smem:$0x3FC8];
	(tm) =	ssettm $0x1  }
0x92: {  	s4 =	sld [smem:$0x3FFB];
	_ =	sdelay $0x3  }
0x93: {  	_ =	strace s4  }
0x94: {  	s4 =	sld [smem:$0x3FFC];
	_ =	sdelay $0x3  }
0x95: {  	_ =	strace s4  }
0x96: {  	s4 =	sld [smem:$0x3FFD];
	_ =	sdelay $0x3  }
0x97: {  	_ =	strace s4  }
0x98: {  	_ =	strace $0x8FFFFFFF  }
0x99: {  	s19 =	sld [smem:$0x3FDB];
	_ =	sdelay $0x1  }
0x9a: {  	s5 =	simm.s32 $_scs_section_size  }
0x9b: {  	s6 =	simm.s32 $_size__tile_overlayer_lowered;
	s7 =	simm.s32 $_tile_overlayer_lowered  }
0x9c: {  	s22 =	simm.s32 $0x1BFF;
	s21 =	sshll.u32 s7, $0x1;
	s4 =	sadd.s32 s5, s19  }
0x9d: {  	s8 =	simm.s32 $0x0;
	s20 =	sshll.u32 s6, $0x1;
	s6 =	sadd.s32 s21, s4  }
0x9e: {  	[timem:s8], [sflag:s22] =	dma.local [hbm:s6], s20  }
0x9f: {  	_ =	swait.ge [sflag:s22], s20  }
0xa0: {  	s5 =	ssub.s32 $0x0, s20;
	[sflag:s22] =	ssyncset.done $0x0  }
0xa1: {  	[sflag:s22] =	ssyncadd.s32 s5;
	_ =	sdelay $0x1  }
0xa2: {  	s23 =	simm.s32 $0x1B8B  }
0xa3: {  	_ =	swait.ge [sflag:s23], $0x1  }
0xa4: {  	[sflag:s23] =	ssyncset.done $0x0  }
0xa5: {  	s25 =	simm.s32 $0x1B8E;
	s24 =	sld [smem:$0x3FFE];
	[sflag:s23] =	ssyncadd.s32 $0xFFFFFFFF  }
0xa6: {  	s26 =	simm.s32 $execute0_lowered;
	[smem:$0x3FD2] =	sst s25  }
0xa7: {  	s6 =	sshll.u32 s26, $0x1;
	_ =	strace $0x80000046;
	[dreg:$0x1] =	wrdreg $0xFFFFFFFF  }
0xa8: {  	s28 =	simm.s32 $_size_execute0_lowered;
	s4 =	sadd.s32 s4, s6;
	[dreg:$0x0] =	wrdreg $0x0  }
0xa9: {  	s6 =	sshll.u32 s28, $0x1;
	[dreg:$0x2] =	wrdreg s4  }
0xaa: {  	[dreg:$0x3] =	wrdreg s6  }
0xab: {  	[dreg:$0x4] =	wrdreg $0xC0  }
0xac: {  	_ =	task [dreg:s8], $0x5FFFF  }
0xad: {  	[dreg:$0x1] =	wrdreg $0xFFFFFFFF  }
0xae: {  	[dreg:$0x0] =	wrdreg $0x60  }
0xaf: {  	[dreg:$0x2] =	wrdreg s2  }
0xb0: {  	[dreg:$0x3] =	wrdreg s18  }
0xb1: {  	[dreg:$0x4] =	wrdreg s24  }
0xb2: {  	[dreg:$0x5] =	wrdreg $0x9  }
0xb3: {  	_ =	task.clear_ibuf [dreg:s8], $0x6FFFF;
	_ =	strace $0x90000046  }
0xb4: {  	s29 =	simm.s32 $0x9;
	_ =	strace $0x80000048  }
0xb5: {  	_ =	swait.ge [sflag:s29], $0x1  }
0xb6: {  	[sflag:s29] =	ssyncadd.s32 $0xFFFFFFFF  }
0xb7: {  	_ =	strace $0x90000048  }
0xb8: {  	_ =	sfence  }
0xb9: {  	s30 =	sld [smem:$0x0];
	_ =	sdelay $0x2  }
0xba: {  	s31 =	sshll.u32 s1, $0xD;
	s1 =	sshrl.u32 s1, $0x2  }
0xbb: {  	s3 =	sand.u32 $0x4000, s31;
	s1 =	sadd.s32 s1, s30  }
0xbc: {  	s0 =	sor.u32 s3, s0;
	s1 =	sshll.u32 s1, $0x11  }
0xbd: {  	s0 =	sor.u32 s1, s0  }
0xbe: {  	s0 =	sadd.s32 $0x8F2B, s0  }
0xbf: {  	[sflag:s0] =	ssyncadd.remote.s32 $0x1  }
0xc0: {  	_ =	sfence.sel $0xFFFF  }
0xc1: {  	[dreg:$0x0] =	wrdreg $0xFFFFFFFF;
	(pc) =	sbr.abs _section_cstart, $3  }
0xc2: {  	[dreg:$0x1] =	wrdreg $0xFFFFFFFF  }
0xc3: {  	_ =	task.clear_ibuf [dreg:s8], $0x2FFFF;
	_ =	strace $0x9FFFFFFF  }
0xc4: {  	(tm) =	ssettm $0x7FFFFFFF  }
0xc5: {  	_ =	shalt  }
tec
execute0_lowered:
.L_overlay_start_1:
0x0: {  	(tag) =	ssettag $0x1  }
0x1: {  	s9 =	rddreg [dreg:$0x0]  }
0x2: {  	s10 =	rddreg [dreg:$0x1];
	s1 =	srdreg.scid  }
0x3: {  	s0 =	stileid.u32;
	s11 =	rddreg [dreg:$0x2]  }
0x4: {  	s15 =	simm.s32 $0x15000;
	s16 =	simm.s32 $0x1;
	s17 =	simm.s32 $0x3  }
0x5: {  	s18 =	simm.s32 $0x2;
	s19 =	simm.s32 $0x4;
	s20 =	simm.s32 $0x1C000  }
0x6: {  	s21 =	simm.s32 $0x5;
	s3 =	sand.u32 $0x1, s1;
	s2 =	sshll.u32 s0, $0x1  }
0x7: {  	s22 =	simm.s32 $0x0;
	s1 =	rddreg [dreg:$0x3];
	s12 =	sor.u32 s3, s2  }
0x8: {  	s2 =	simm.s32 $0x0;
	s3 =	ssub.s32 $0x2, s3;
	s4 =	smul.u32 $0x1C000, s12  }
0x9: {  	[smem:$0x7FF] =	sst s2;
	s5 =	sshrl.u32 s3, $0x1;
	s12 =	sshll.u32 s12, $0x6  }
0xa: {  	_ =	strace $0x80000047;
	s13 =	ssub.s32 s3, s5;
	s11 =	sadd.s32 s11, s12  }
0xb: {  	s14 =	sshrl.u32 s4, $0x3;
	s12 =	smax.u32 s13, $0x1;
	s13 =	simm.s32 $0xE000  }
0xc: {  	s3 =	sadd.s32 s9, s14;
	s4 =	sadd.s32 s10, s14;
	s6 =	sadd.s32 $0xE00, s14  }
0xd: {  	s8 =	sadd.s32 $0x1C00, s14;
	s14 =	sadd.s32 $0x2A00, s14;
	s5 =	sadd.s32 s9, s6  }
0xe: {  	s6 =	sadd.s32 s10, s6;
	s7 =	sadd.s32 s9, s8;
	s8 =	sadd.s32 s10, s8  }
0xf: {  	v0 =	vimm.f32 $0.0e+00;
	s9 =	sadd.s32 s9, s14;
	s10 =	sadd.s32 s10, s14;
	s14 =	simm.s32 $0x7000  }
.LBB2_1:
0x10: {  	[tilespmem:s2], [sflag:$0x1] =	stream.linear.gather [hbm4b:s3+s2], $0x7000, $0x38;
	[tilespmem:$0x1C200] =	vst v63  }
0x11: {  	_ = 	snop  }
0x12: {  	[tilespmem:s13], [sflag:$0x3] =	stream.linear.gather [hbm4b:s4+s2], $0x7000, $0x38;
	[tilespmem:$0x1C200] =	vst v63  }
0x13: {  	_ = 	snop  }
0x14: {  	[tilespmem:s14], [sflag:$0x2] =	stream.linear.gather [hbm4b:s5+s2], $0x7000, $0x38;
	[tilespmem:$0x1C200] =	vst v63  }
0x15: {  	p1 =	por $0x1, $0x1  }
0x16: {  	v8 =	vimm.f32 $0.0e+00;
	v9 =	vimm.f32 $0.0e+00;
	v10 =	vimm.f32 $0.0e+00;
	[tilespmem:s15], [sflag:$0x4] =	stream.linear.gather [hbm4b:s6+s2], $0x7000, $0x38;
	[tilespmem:$0x1C200] =	vst v63  }
.LBB2_2:
0x17: {  	_ =	swait.ge [sflag:s16], $0x7000  }
0x18: {  	[sflag:s16] =	ssyncset.done $0x0  }
0x19: {  	[sflag:s16] =	ssyncadd.s32 $0xFFFF9000  }
0x1a: {  	_ =	swait.ge [sflag:s17], $0x7000  }
0x1b: {  	[sflag:s17] =	ssyncset.done $0x0  }
0x1c: {  	s23 =	simm.s32 @p1 $0x0;
	[sflag:s17] =	ssyncadd.s32 $0xFFFF9000  }
0x1d: {  	[tilespmem:s23], [sflag:$0x1] =	stream.linear.gather @p1 [hbm4b:s7+s23], $0x7000, $0x38;
	[tilespmem:$0x1C200] =	vst v63  }
0x1e: {  	s24 =	simm.s32 @p1 $0xE000  }
0x1f: {  	[tilespmem:s24], [sflag:$0x3] =	stream.linear.gather @p1 [hbm4b:s8+s23], $0x7000, $0x38;
	[tilespmem:$0x1C200] =	vst v63  }
0x20: {  	s23 =	simm.s32 $0x0  }
0x21: {  	s31 =	sand.u32 $0x7800, s23;
	s25 =	sand.u32 $0x380, s23  }
0x22: {  	s24 =	sor.u32 s25, s31  }
0x23: {  	v1 =	vld [tilespmem:s24+$0x450]  }
0x24: {  	v2 =	vld [tilespmem:s24+$0xE450]  }
0x25: {  	v3 =	vld [tilespmem:s24+$0x440]  }
0x26: {  	v4 =	vld [tilespmem:s24+$0xE440]  }
0x27: {  	v5 =	vld [tilespmem:s24+$0x430]  }
0x28: {  	v6 =	vld [tilespmem:s24+$0xE430]  }
0x29: {  	v7 =	vld [tilespmem:s24+$0x420]  }
0x2a: {  	v11 =	vld [tilespmem:s24+$0xE420]  }
0x2b: {  	v12 =	vld [tilespmem:s24+$0x410]  }
0x2c: {  	v14 =	vld [tilespmem:s24+$0xE410]  }
0x2d: {  	v15 =	vld [tilespmem:s24+$0x400]  }
0x2e: {  	v16 =	vld [tilespmem:s24+$0xE400]  }
0x2f: {  	v17 =	vld [tilespmem:s24+$0x70]  }
0x30: {  	v18 =	vld [tilespmem:s24+$0xE070]  }
0x31: {  	v19 =	vld [tilespmem:s24+$0x60]  }
0x32: {  	v20 =	vld [tilespmem:s24+$0xE060]  }
0x33: {  	v21 =	vld [tilespmem:s24+$0x50]  }
0x34: {  	v22 =	vld [tilespmem:s24+$0xE050]  }
0x35: {  	v23 =	vld [tilespmem:s24+$0x40]  }
0x36: {  	v24 =	vld [tilespmem:s24+$0xE040]  }
0x37: {  	v25 =	vld [tilespmem:s24+$0x30]  }
0x38: {  	v26 =	vld [tilespmem:s24+$0xE030]  }
0x39: {  	v27 =	vld [tilespmem:s24+$0x20]  }
0x3a: {  	v28 =	vld [tilespmem:s24+$0xE020];
	vm1 =	veq.f32 v4, $0.0e+00;
	vm0 =	veq.f32 v2, $0.0e+00;
	v1 =	vsub.f32 v1, v2  }
0x3b: {  	v29 =	vld [tilespmem:s24+$0x10];
	vm3 =	veq.f32 v11, $0.0e+00;
	vm2 =	veq.f32 v6, $0.0e+00;
	v2 =	vsub.f32 v3, v4  }
0x3c: {  	v30 =	vld [tilespmem:s24+$0xE010];
	vm4 =	veq.f32 v14, $0.0e+00;
	v4 =	vsub.f32 v7, v11;
	v3 =	vsub.f32 v5, v6  }
0x3d: {  	v13 =	vld [tilespmem:s24+$0xE000];
	vm6 =	veq.f32 v18, $0.0e+00;
	vm5 =	veq.f32 v16, $0.0e+00;
	v5 =	vsub.f32 v12, v14  }
0x3e: {  	vm7 =	veq.f32 v20, $0.0e+00;
	v7 =	vsub.f32 v17, v18;
	v6 =	vsub.f32 v15, v16;
	v15 =	vld [tilespmem:s24+$0x0]  }
0x3f: {  	vm9 =	veq.f32 v24, $0.0e+00;
	vm8 =	veq.f32 v22, $0.0e+00;
	v11 =	vsub.f32 v19, v20  }
0x40: {  	vm10 =	veq.f32 v26, $0.0e+00;
	v14 =	vsub.f32 v23, v24;
	v12 =	vsub.f32 v21, v22  }
0x41: {  	vm12 =	veq.f32 v30, $0.0e+00;
	vm11 =	veq.f32 v28, $0.0e+00;
	v19 =	vsub.f32 v25, v26  }
0x42: {  	p0 =	por p1, p1;
	vm13 =	veq.f32 v13, $0.0e+00;
	v23 =	vsub.f32 v29, v30;
	v22 =	vsub.f32 v27, v28;
	s24 =	simm.s32 $0x100  }
.LBB2_3:
0x43: {  	p1 =	sne.s32 s24, $0x6F00;
	v24 =	vsub.f32 v15, v13;
	v16 =	vsel vm2, $0x3F800000, v0;
	v13 =	vsel vm1, $0x3F800000, v0  }
0x44: {  	v25 =	vsel vm5, $0x3F800000, v0;
	v21 =	vsel vm4, $0x3F800000, v0;
	v18 =	vsel vm3, $0x3F800000, v0  }
0x45: {  	v26 =	vsel vm7, $0x3F800000, v0;
	v27 =	vsel vm6, $0x3F800000, v0;
	v15 =	vmul.f32 v1, v1  }
0x46: {  	v28 =	vsel vm8, $0x3F800000, v0;
	v20 =	vmul.f32 v3, v3;
	v17 =	vmul.f32 v2, v2  }
0x47: {  	v29 =	vsel vm9, $0x3F800000, v0;
	v30 =	vmul.f32 v5, v5;
	v31 =	vmul.f32 v4, v4  }
0x48: {  	v32 =	vsel vm10, $0x3F800000, v0;
	v33 =	vmul.f32 v7, v7;
	v34 =	vmul.f32 v6, v6  }
0x49: {  	v35 =	vsel vm11, $0x3F800000, v0;
	v36 =	vmul.f32 v12, v12;
	v37 =	vmul.f32 v11, v11  }
0x4a: {  	v39 =	vsel vm12, $0x3F800000, v0;
	v40 =	vmul.f32 v14, v14;
	v38 =	vmul.f32 v24, v24  }
0x4b: {  	v41 =	vsel vm13, $0x3F800000, v0;
	v43 =	vmul.f32 v19, v19;
	v42 =	vmul.f32 v22, v22  }
0x4c: {  	v44 =	vmul.f32 v23, v23;
	v24 =	vand.u32 $0x7FFFFFFF, v24;
	v38 =	vnsel vm13, $0x0, v38  }
0x4d: {  	v23 =	vand.u32 $0x7FFFFFFF, v23;
	v24 =	vsel vm13, $0x0, v24;
	v10 =	vadd.f32 v38, v10  }
0x4e: {  	v8 =	vadd.f32 v41, v8;
	v9 =	vadd.f32 v24, v9;
	v24 =	vnsel vm12, $0x0, v44  }
0x4f: {  	s23 =	sadd.s32 $0x80, s23;
	v22 =	vand.u32 $0x7FFFFFFF, v22;
	v23 =	vsel vm12, $0x0, v23;
	v10 =	vadd.f32 v24, v10  }
0x50: {  	s25 =	sand.u32 $0x7800, s24;
	s26 =	sand.u32 $0x380, s23;
	v8 =	vadd.f32 v39, v8;
	v9 =	vadd.f32 v23, v9;
	v23 =	vnsel vm11, $0x0, v42  }
0x51: {  	v19 =	vand.u32 $0x7FFFFFFF, v19;
	s25 =	sor.u32 s26, s25;
	v22 =	vsel vm11, $0x0, v22;
	v10 =	vadd.f32 v23, v10  }
0x52: {  	v8 =	vadd.f32 v35, v8;
	v9 =	vadd.f32 v22, v9;
	v22 =	vnsel vm10, $0x0, v43;
	v23 =	vld [tilespmem:s25+$0x450]  }
0x53: {  	v14 =	vand.u32 $0x7FFFFFFF, v14;
	v19 =	vsel vm10, $0x0, v19;
	v10 =	vadd.f32 v22, v10;
	v24 =	vld [tilespmem:s25+$0xE450]  }
0x54: {  	v8 =	vadd.f32 v32, v8;
	v9 =	vadd.f32 v19, v9;
	v19 =	vnsel vm9, $0x0, v40;
	v22 =	vld [tilespmem:s25+$0x440]  }
0x55: {  	v12 =	vand.u32 $0x7FFFFFFF, v12;
	v14 =	vsel vm9, $0x0, v14;
	v10 =	vadd.f32 v19, v10;
	v32 =	vld [tilespmem:s25+$0xE440]  }
0x56: {  	v8 =	vadd.f32 v29, v8;
	v9 =	vadd.f32 v14, v9;
	v14 =	vnsel vm8, $0x0, v36;
	v19 =	vld [tilespmem:s25+$0x430]  }
0x57: {  	v11 =	vand.u32 $0x7FFFFFFF, v11;
	v12 =	vsel vm8, $0x0, v12;
	v10 =	vadd.f32 v14, v10;
	v29 =	vld [tilespmem:s25+$0xE430]  }
0x58: {  	v8 =	vadd.f32 v28, v8;
	v9 =	vadd.f32 v12, v9;
	v12 =	vnsel vm7, $0x0, v37;
	v14 =	vld [tilespmem:s25+$0x420]  }
0x59: {  	v7 =	vand.u32 $0x7FFFFFFF, v7;
	v11 =	vsel vm7, $0x0, v11;
	v10 =	vadd.f32 v12, v10;
	v28 =	vld [tilespmem:s25+$0xE420]  }
0x5a: {  	v8 =	vadd.f32 v26, v8;
	v9 =	vadd.f32 v11, v9;
	v11 =	vnsel vm6, $0x0, v33;
	v12 =	vld [tilespmem:s25+$0x410]  }
0x5b: {  	v6 =	vand.u32 $0x7FFFFFFF, v6;
	v7 =	vsel vm6, $0x0, v7;
	v10 =	vadd.f32 v11, v10;
	v26 =	vld [tilespmem:s25+$0xE410]  }
0x5c: {  	v8 =	vadd.f32 v27, v8;
	v7 =	vadd.f32 v7, v9;
	v9 =	vnsel vm5, $0x0, v34;
	v11 =	vld [tilespmem:s25+$0x400]  }
0x5d: {  	v5 =	vand.u32 $0x7FFFFFFF, v5;
	v6 =	vsel vm5, $0x0, v6;
	v9 =	vadd.f32 v9, v10;
	v27 =	vld [tilespmem:s25+$0xE400]  }
0x5e: {  	v6 =	vadd.f32 v6, v7;
	v7 =	vadd.f32 v25, v8;
	v8 =	vnsel vm4, $0x0, v30;
	v33 =	vld [tilespmem:s25+$0x70]  }
0x5f: {  	v4 =	vand.u32 $0x7FFFFFFF, v4;
	v5 =	vsel vm4, $0x0, v5;
	v8 =	vadd.f32 v8, v9;
	v25 =	vld [tilespmem:s25+$0xE070]  }
0x60: {  	v5 =	vadd.f32 v5, v6;
	v6 =	vadd.f32 v21, v7;
	v7 =	vnsel vm3, $0x0, v31;
	v30 =	vld [tilespmem:s25+$0x60]  }
0x61: {  	v3 =	vand.u32 $0x7FFFFFFF, v3;
	v4 =	vsel vm3, $0x0, v4;
	v7 =	vadd.f32 v7, v8;
	v21 =	vld [tilespmem:s25+$0xE060]  }
0x62: {  	v4 =	vadd.f32 v4, v5;
	v5 =	vadd.f32 v18, v6;
	v6 =	vnsel vm2, $0x0, v20;
	v31 =	vld [tilespmem:s25+$0x50]  }
0x63: {  	v2 =	vand.u32 $0x7FFFFFFF, v2;
	v3 =	vsel vm2, $0x0, v3;
	v6 =	vadd.f32 v6, v7;
	v18 =	vld [tilespmem:s25+$0xE050]  }
0x64: {  	v3 =	vadd.f32 v3, v4;
	v4 =	vadd.f32 v16, v5;
	v5 =	vnsel vm1, $0x0, v17;
	v20 =	vld [tilespmem:s25+$0x40]  }
0x65: {  	v1 =	vand.u32 $0x7FFFFFFF, v1;
	v2 =	vsel vm1, $0x0, v2;
	v5 =	vadd.f32 v5, v6;
	v16 =	vld [tilespmem:s25+$0xE040]  }
0x66: {  	v2 =	vadd.f32 v2, v3;
	v3 =	vadd.f32 v13, v4;
	v4 =	vnsel vm0, $0x0, v15;
	v17 =	vld [tilespmem:s25+$0x30]  }
0x67: {  	v1 =	vsel vm0, $0x0, v1;
	v10 =	vadd.f32 v4, v5;
	v4 =	vsel vm0, $0x3F800000, v0;
	v34 =	vld [tilespmem:s25+$0xE030]  }
0x68: {  	v9 =	vadd.f32 v1, v2;
	v8 =	vadd.f32 v4, v3;
	v35 =	vld [tilespmem:s25+$0x20]  }
0x69: {  	vm1 =	veq.f32 v32, $0.0e+00;
	v1 =	vsub.f32 v23, v24;
	vm0 =	veq.f32 v24, $0.0e+00;
	v36 =	vld [tilespmem:s25+$0xE020]  }
0x6a: {  	vm2 =	veq.f32 v29, $0.0e+00;
	vm3 =	veq.f32 v28, $0.0e+00;
	v2 =	vsub.f32 v22, v32;
	v23 =	vld [tilespmem:s25+$0x10]  }
0x6b: {  	vm4 =	veq.f32 v26, $0.0e+00;
	v4 =	vsub.f32 v14, v28;
	v3 =	vsub.f32 v19, v29;
	v22 =	vld [tilespmem:s25+$0xE010]  }
0x6c: {  	vm5 =	veq.f32 v27, $0.0e+00;
	v5 =	vsub.f32 v12, v26;
	vm6 =	veq.f32 v25, $0.0e+00;
	v13 =	vld [tilespmem:s25+$0xE000]  }
.Ltmp0:
0x6d: {  	v6 =	vsub.f32 v11, v27;
	v7 =	vsub.f32 v33, v25;
	vm7 =	veq.f32 v21, $0.0e+00;
	v15 =	vld [tilespmem:s25+$0x0];
	(pc) =	sbr.rel @p1 .LBB2_3-.Ltmp0, $4  }
0x6e: {  	v11 =	vsub.f32 v30, v21;
	vm8 =	veq.f32 v18, $0.0e+00;
	vm9 =	veq.f32 v16, $0.0e+00  }
0x6f: {  	v12 =	vsub.f32 v31, v18;
	v14 =	vsub.f32 v20, v16;
	vm10 =	veq.f32 v34, $0.0e+00  }
0x70: {  	v19 =	vsub.f32 v17, v34;
	vm11 =	veq.f32 v36, $0.0e+00;
	vm12 =	veq.f32 v22, $0.0e+00  }
0x71: {  	s24 =	sadd.s32 $0x100, s24;
	v23 =	vsub.f32 v23, v22;
	v22 =	vsub.f32 v35, v36;
	vm13 =	veq.f32 v13, $0.0e+00  }
0x72: {  	v17 =	vsub.f32 v15, v13;
	v16 =	vsel vm2, $0x3F800000, v0  }
0x73: {  	v13 =	vsel vm1, $0x3F800000, v0;
	v18 =	vsel vm5, $0x3F800000, v0;
	v20 =	vsel vm4, $0x3F800000, v0  }
0x74: {  	v21 =	vsel vm3, $0x3F800000, v0;
	v24 =	vsel vm7, $0x3F800000, v0;
	v25 =	vsel vm6, $0x3F800000, v0  }
0x75: {  	v15 =	vmul.f32 v1, v1;
	v26 =	vsel vm8, $0x3F800000, v0;
	v27 =	vmul.f32 v3, v3;
	_ =	swait.ge [sflag:s18], $0x7000  }
0x76: {  	v28 =	vmul.f32 v2, v2;
	v29 =	vsel vm9, $0x3F800000, v0;
	v30 =	vmul.f32 v5, v5;
	[sflag:s18] =	ssyncset.done $0x0  }
0x77: {  	v31 =	vmul.f32 v4, v4;
	v32 =	vsel vm10, $0x3F800000, v0;
	v33 =	vmul.f32 v7, v7;
	[sflag:s18] =	ssyncadd.s32 $0xFFFF9000  }
0x78: {  	v34 =	vmul.f32 v6, v6;
	v35 =	vsel vm11, $0x3F800000, v0;
	v38 =	vmul.f32 v17, v17;
	_ =	swait.ge [sflag:s19], $0x7000  }
0x79: {  	v36 =	vmul.f32 v12, v12;
	v39 =	vsel vm12, $0x3F800000, v0;
	v41 =	vsel vm13, $0x3F800000, v0;
	[sflag:s19] =	ssyncset.done $0x0  }
0x7a: {  	s23 =	simm.s32 @p0 $0x0;
	s24 =	simm.s32 @p0 $0x7000;
	v44 =	vmul.f32 v23, v23;
	v17 =	vand.u32 $0x7FFFFFFF, v17;
	v38 =	vnsel vm13, $0x0, v38;
	[sflag:s19] =	ssyncadd.s32 $0xFFFF9000  }
0x7b: {  	v42 =	vmul.f32 v22, v22;
	v17 =	vsel vm13, $0x0, v17;
	v10 =	vadd.f32 v38, v10;
	[tilespmem:s24], [sflag:$0x2] =	stream.linear.gather @p0 [hbm4b:s9+s23], $0x7000, $0x38;
	[tilespmem:$0x1C200] =	vst v63  }
0x7c: {  	v23 =	vand.u32 $0x7FFFFFFF, v23;
	v9 =	vadd.f32 v17, v9;
	v17 =	vnsel vm12, $0x0, v44;
	s24 =	simm.s32 @p0 $0x15000  }
0x7d: {  	v43 =	vmul.f32 v19, v19;
	v10 =	vadd.f32 v17, v10;
	v17 =	vsel vm12, $0x0, v23;
	[tilespmem:s24], [sflag:$0x4] =	stream.linear.gather @p0 [hbm4b:s10+s23], $0x7000, $0x38;
	[tilespmem:$0x1C200] =	vst v63  }
0x7e: {  	v22 =	vand.u32 $0x7FFFFFFF, v22;
	v9 =	vadd.f32 v17, v9;
	v17 =	vnsel vm11, $0x0, v42;
	s23 =	simm.s32 $0x0  }
0x7f: {  	v8 =	vadd.f32 v41, v8;
	v10 =	vadd.f32 v17, v10;
	v17 =	vsel vm11, $0x0, v22;
	s31 =	sand.u32 $0x7800, s23;
	s25 =	sand.u32 $0x380, s23  }
0x80: {  	v19 =	vand.u32 $0x7FFFFFFF, v19;
	v9 =	vadd.f32 v17, v9;
	v17 =	vnsel vm10, $0x0, v43;
	s24 =	sor.u32 s25, s31  }
0x81: {  	v8 =	vadd.f32 v39, v8;
	v10 =	vadd.f32 v17, v10;
	v17 =	vsel vm10, $0x0, v19;
	v19 =	vld [tilespmem:s24+$0x7450]  }
0x82: {  	v37 =	vmul.f32 v11, v11;
	v40 =	vmul.f32 v14, v14;
	v14 =	vand.u32 $0x7FFFFFFF, v14;
	v22 =	vld [tilespmem:s24+$0x7430]  }
0x83: {  	v12 =	vand.u32 $0x7FFFFFFF, v12;
	v11 =	vand.u32 $0x7FFFFFFF, v11;
	v8 =	vadd.f32 v35, v8;
	v23 =	vld [tilespmem:s24+$0x7420]  }
0x84: {  	v7 =	vand.u32 $0x7FFFFFFF, v7;
	v6 =	vand.u32 $0x7FFFFFFF, v6;
	v5 =	vand.u32 $0x7FFFFFFF, v5;
	v55 =	vld [tilespmem:s24+$0x7410]  }
0x85: {  	v8 =	vadd.f32 v32, v8;
	v56 =	vld [tilespmem:s24+$0x7400];
	v9 =	vadd.f32 v17, v9;
	v17 =	vnsel vm9, $0x0, v40  }
0x86: {  	v4 =	vand.u32 $0x7FFFFFFF, v4;
	v14 =	vsel vm9, $0x0, v14;
	v57 =	vld [tilespmem:s24+$0x7070];
	v10 =	vadd.f32 v17, v10  }
0x87: {  	v8 =	vadd.f32 v29, v8;
	v58 =	vld [tilespmem:s24+$0x7060];
	v9 =	vadd.f32 v14, v9;
	v14 =	vnsel vm8, $0x0, v36  }
0x88: {  	v3 =	vand.u32 $0x7FFFFFFF, v3;
	v12 =	vsel vm8, $0x0, v12;
	v59 =	vld [tilespmem:s24+$0x7050];
	v10 =	vadd.f32 v14, v10  }
0x89: {  	v8 =	vadd.f32 v26, v8;
	v60 =	vld [tilespmem:s24+$0x7040];
	s26 =	sadd.s32 $0x7000, s24;
	v9 =	vadd.f32 v12, v9;
	v12 =	vnsel vm7, $0x0, v37  }
0x8a: {  	v2 =	vand.u32 $0x7FFFFFFF, v2;
	v11 =	vsel vm7, $0x0, v11;
	v61 =	vld [tilespmem:s26+$0xE050];
	v10 =	vadd.f32 v12, v10  }
0x8b: {  	v62 =	vld [tilespmem:s26+$0xE040];
	v8 =	vadd.f32 v24, v8;
	v9 =	vadd.f32 v11, v9;
	v11 =	vnsel vm6, $0x0, v33  }
0x8c: {  	v1 =	vand.u32 $0x7FFFFFFF, v1;
	v7 =	vsel vm6, $0x0, v7;
	v63 =	vld [tilespmem:s26+$0xE030];
	v10 =	vadd.f32 v11, v10  }
0x8d: {  	s25 =	sadd.s32 $0x7400, s24;
	v17 =	vld [tilespmem:s24+$0x7440];
	v8 =	vadd.f32 v25, v8;
	v7 =	vadd.f32 v7, v9;
	v9 =	vnsel vm5, $0x0, v34  }
0x8e: {  	v6 =	vsel vm5, $0x0, v6;
	v5 =	vsel vm4, $0x0, v5;
	v14 =	vld [tilespmem:s25+$0xE040];
	v9 =	vadd.f32 v9, v10  }
0x8f: {  	v10 =	vld [tilespmem:s25+$0xE050];
	v6 =	vadd.f32 v6, v7;
	v7 =	vadd.f32 v18, v8;
	v8 =	vnsel vm4, $0x0, v30  }
0x90: {  	v4 =	vsel vm3, $0x0, v4;
	v3 =	vsel vm2, $0x0, v3;
	v18 =	vld [tilespmem:s24+$0x7030];
	v8 =	vadd.f32 v8, v9  }
0x91: {  	v5 =	vadd.f32 v5, v6;
	v6 =	vadd.f32 v20, v7;
	v7 =	vnsel vm3, $0x0, v31;
	v20 =	vld [tilespmem:s25+$0xE020]  }
0x92: {  	v2 =	vsel vm1, $0x0, v2;
	v1 =	vsel vm0, $0x0, v1;
	v7 =	vadd.f32 v7, v8;
	v8 =	vld [tilespmem:s25+$0xE030]  }
0x93: {  	v4 =	vadd.f32 v4, v5;
	v5 =	vadd.f32 v21, v6;
	v6 =	vnsel vm2, $0x0, v27;
	v21 =	vld [tilespmem:s24+$0x7020]  }
0x94: {  	vm9 =	veq.f32 v62, $0.0e+00;
	vm8 =	veq.f32 v61, $0.0e+00;
	v6 =	vadd.f32 v6, v7;
	v7 =	vld [tilespmem:s25+$0xE010]  }
0x95: {  	v3 =	vadd.f32 v3, v4;
	v4 =	vadd.f32 v16, v5;
	v5 =	vnsel vm1, $0x0, v28;
	v16 =	vld [tilespmem:s25+$0xE000]  }
0x96: {  	vm10 =	veq.f32 v63, $0.0e+00;
	vm1 =	veq.f32 v14, $0.0e+00;
	v5 =	vadd.f32 v5, v6;
	v6 =	vld [tilespmem:s26+$0xE070]  }
0x97: {  	v2 =	vadd.f32 v2, v3;
	v3 =	vadd.f32 v13, v4;
	v4 =	vnsel vm0, $0x0, v15;
	v13 =	vld [tilespmem:s26+$0xE060]  }
0x98: {  	vm3 =	veq.f32 v20, $0.0e+00;
	v15 =	vld [tilespmem:s26+$0xE000];
	v9 =	vadd.f32 v4, v5;
	v4 =	vsel vm0, $0x3F800000, v0  }
0x99: {  	vm0 =	veq.f32 v10, $0.0e+00;
	v11 =	vadd.f32 v1, v2;
	v1 =	vsub.f32 v19, v10;
	v10 =	vld [tilespmem:s26+$0xE020]  }
0x9a: {  	vm2 =	veq.f32 v8, $0.0e+00;
	v12 =	vadd.f32 v4, v3;
	v2 =	vsub.f32 v17, v14;
	v14 =	vld [tilespmem:s26+$0xE010]  }
0x9b: {  	vm4 =	veq.f32 v7, $0.0e+00;
	v4 =	vsub.f32 v23, v20;
	v3 =	vsub.f32 v22, v8;
	v23 =	vld [tilespmem:s24+$0x7010]  }
0x9c: {  	v5 =	vsub.f32 v55, v7;
	v17 =	vld [tilespmem:s24+$0x7000];
	v22 =	vsub.f32 v18, v63;
	vm5 =	veq.f32 v16, $0.0e+00  }
0x9d: {  	vm6 =	veq.f32 v6, $0.0e+00;
	v7 =	vsub.f32 v57, v6;
	v6 =	vsub.f32 v56, v16  }
0x9e: {  	v16 =	vsub.f32 v60, v62;
	vm7 =	veq.f32 v13, $0.0e+00;
	v8 =	vsub.f32 v58, v13  }
0x9f: {  	s24 =	simm.s32 $0x100;
	v13 =	vsub.f32 v59, v61;
	vm12 =	veq.f32 v14, $0.0e+00;
	vm11 =	veq.f32 v10, $0.0e+00  }
.LBB2_5:
0xa0: {  	p1 =	sne.s32 s24, $0x6F00;
	vm13 =	veq.f32 v15, $0.0e+00;
	v23 =	vsub.f32 v23, v14;
	v21 =	vsub.f32 v21, v10  }
0xa1: {  	v10 =	vsel vm1, $0x3F800000, v0;
	v24 =	vsub.f32 v17, v15;
	v15 =	vsel vm2, $0x3F800000, v0  }
0xa2: {  	v25 =	vsel vm5, $0x3F800000, v0;
	v20 =	vsel vm4, $0x3F800000, v0;
	v18 =	vsel vm3, $0x3F800000, v0  }
0xa3: {  	v26 =	vsel vm7, $0x3F800000, v0;
	v27 =	vsel vm6, $0x3F800000, v0;
	v14 =	vmul.f32 v1, v1  }
0xa4: {  	v28 =	vsel vm8, $0x3F800000, v0;
	v19 =	vmul.f32 v3, v3;
	v17 =	vmul.f32 v2, v2  }
0xa5: {  	v29 =	vsel vm9, $0x3F800000, v0;
	v30 =	vmul.f32 v5, v5;
	v31 =	vmul.f32 v4, v4  }
0xa6: {  	v32 =	vsel vm10, $0x3F800000, v0;
	v33 =	vmul.f32 v7, v7;
	v34 =	vmul.f32 v6, v6  }
0xa7: {  	v35 =	vsel vm11, $0x3F800000, v0;
	v36 =	vmul.f32 v13, v13;
	v37 =	vmul.f32 v8, v8  }
0xa8: {  	v39 =	vsel vm12, $0x3F800000, v0;
	v40 =	vmul.f32 v16, v16;
	v38 =	vmul.f32 v24, v24  }
0xa9: {  	v41 =	vsel vm13, $0x3F800000, v0;
	v43 =	vmul.f32 v22, v22;
	v42 =	vmul.f32 v21, v21  }
0xaa: {  	v44 =	vmul.f32 v23, v23;
	v24 =	vand.u32 $0x7FFFFFFF, v24;
	v38 =	vnsel vm13, $0x0, v38  }
0xab: {  	v23 =	vand.u32 $0x7FFFFFFF, v23;
	v24 =	vsel vm13, $0x0, v24;
	v9 =	vadd.f32 v38, v9  }
0xac: {  	v12 =	vadd.f32 v41, v12;
	v11 =	vadd.f32 v24, v11;
	v24 =	vnsel vm12, $0x0, v44  }
0xad: {  	s23 =	sadd.s32 $0x80, s23;
	v21 =	vand.u32 $0x7FFFFFFF, v21;
	v23 =	vsel vm12, $0x0, v23;
	v9 =	vadd.f32 v24, v9  }
0xae: {  	s25 =	sand.u32 $0x7800, s24;
	s26 =	sand.u32 $0x380, s23;
	v12 =	vadd.f32 v39, v12;
	v11 =	vadd.f32 v23, v11;
	v23 =	vnsel vm11, $0x0, v42  }
0xaf: {  	v22 =	vand.u32 $0x7FFFFFFF, v22;
	s25 =	sor.u32 s26, s25;
	v21 =	vsel vm11, $0x0, v21;
	v9 =	vadd.f32 v23, v9  }
0xb0: {  	v12 =	vadd.f32 v35, v12;
	v11 =	vadd.f32 v21, v11;
	v21 =	vnsel vm10, $0x0, v43;
	v24 =	vld [tilespmem:s25+$0x7450]  }
0xb1: {  	v16 =	vand.u32 $0x7FFFFFFF, v16;
	v9 =	vadd.f32 v21, v9;
	v21 =	vsel vm10, $0x0, v22;
	v35 =	vld [tilespmem:s25+$0x7440]  }
0xb2: {  	v12 =	vadd.f32 v32, v12;
	v11 =	vadd.f32 v21, v11;
	v21 =	vnsel vm9, $0x0, v40;
	v22 =	vld [tilespmem:s25+$0x7430]  }
0xb3: {  	v13 =	vand.u32 $0x7FFFFFFF, v13;
	v16 =	vsel vm9, $0x0, v16;
	v9 =	vadd.f32 v21, v9;
	v32 =	vld [tilespmem:s25+$0x7420]  }
0xb4: {  	v12 =	vadd.f32 v29, v12;
	v11 =	vadd.f32 v16, v11;
	v16 =	vnsel vm8, $0x0, v36;
	v38 =	vld [tilespmem:s25+$0x7410]  }
0xb5: {  	v8 =	vand.u32 $0x7FFFFFFF, v8;
	v13 =	vsel vm8, $0x0, v13;
	v9 =	vadd.f32 v16, v9;
	v29 =	vld [tilespmem:s25+$0x7400]  }
0xb6: {  	v12 =	vadd.f32 v28, v12;
	v11 =	vadd.f32 v13, v11;
	v13 =	vnsel vm7, $0x0, v37;
	v16 =	vld [tilespmem:s25+$0x7070]  }
0xb7: {  	v7 =	vand.u32 $0x7FFFFFFF, v7;
	v8 =	vsel vm7, $0x0, v8;
	v9 =	vadd.f32 v13, v9;
	v28 =	vld [tilespmem:s25+$0x7060]  }
0xb8: {  	v8 =	vadd.f32 v8, v11;
	v11 =	vadd.f32 v26, v12;
	v12 =	vnsel vm6, $0x0, v33;
	v13 =	vld [tilespmem:s25+$0x7050]  }
0xb9: {  	v6 =	vand.u32 $0x7FFFFFFF, v6;
	v7 =	vsel vm6, $0x0, v7;
	v9 =	vadd.f32 v12, v9;
	v26 =	vld [tilespmem:s25+$0x7040]  }
0xba: {  	v7 =	vadd.f32 v7, v8;
	v8 =	vadd.f32 v27, v11;
	v11 =	vnsel vm5, $0x0, v34;
	v33 =	vld [tilespmem:s25+$0x7030]  }
0xbb: {  	v5 =	vand.u32 $0x7FFFFFFF, v5;
	v6 =	vsel vm5, $0x0, v6;
	v9 =	vadd.f32 v11, v9;
	v21 =	vld [tilespmem:s25+$0x7020]  }
0xbc: {  	s26 =	sadd.s32 $0x7400, s25;
	v6 =	vadd.f32 v6, v7;
	v7 =	vadd.f32 v25, v8;
	v8 =	vnsel vm4, $0x0, v30;
	v23 =	vld [tilespmem:s25+$0x7010]  }
0xbd: {  	v4 =	vand.u32 $0x7FFFFFFF, v4;
	v5 =	vsel vm4, $0x0, v5;
	v8 =	vadd.f32 v8, v9;
	v25 =	vld [tilespmem:s26+$0xE050]  }
0xbe: {  	v5 =	vadd.f32 v5, v6;
	v6 =	vadd.f32 v20, v7;
	v7 =	vnsel vm3, $0x0, v31;
	v27 =	vld [tilespmem:s26+$0xE040]  }
0xbf: {  	v3 =	vand.u32 $0x7FFFFFFF, v3;
	v4 =	vsel vm3, $0x0, v4;
	v7 =	vadd.f32 v7, v8;
	v20 =	vld [tilespmem:s26+$0xE030]  }
0xc0: {  	v4 =	vadd.f32 v4, v5;
	v5 =	vadd.f32 v18, v6;
	v6 =	vnsel vm2, $0x0, v19;
	v8 =	vld [tilespmem:s26+$0xE020]  }
0xc1: {  	v3 =	vsel vm2, $0x0, v3;
	v2 =	vand.u32 $0x7FFFFFFF, v2;
	v6 =	vadd.f32 v6, v7;
	v18 =	vld [tilespmem:s26+$0xE010]  }
0xc2: {  	s28 =	sadd.s32 $0x7000, s25;
	v3 =	vadd.f32 v3, v4;
	v4 =	vadd.f32 v15, v5;
	v5 =	vnsel vm1, $0x0, v17;
	v19 =	vld [tilespmem:s26+$0xE000]  }
0xc3: {  	v1 =	vand.u32 $0x7FFFFFFF, v1;
	v2 =	vsel vm1, $0x0, v2;
	v5 =	vadd.f32 v5, v6;
	v7 =	vld [tilespmem:s28+$0xE070]  }
0xc4: {  	v2 =	vadd.f32 v2, v3;
	v3 =	vadd.f32 v10, v4;
	v4 =	vnsel vm0, $0x0, v14;
	v30 =	vld [tilespmem:s28+$0xE060]  }
0xc5: {  	v1 =	vsel vm0, $0x0, v1;
	v9 =	vadd.f32 v4, v5;
	v4 =	vsel vm0, $0x3F800000, v0;
	v31 =	vld [tilespmem:s28+$0xE050]  }
0xc6: {  	v11 =	vadd.f32 v1, v2;
	v12 =	vadd.f32 v4, v3;
	v34 =	vld [tilespmem:s28+$0xE040]  }
0xc7: {  	vm0 =	veq.f32 v25, $0.0e+00;
	v1 =	vsub.f32 v24, v25;
	vm1 =	veq.f32 v27, $0.0e+00;
	v36 =	vld [tilespmem:s28+$0xE030]  }
0xc8: {  	v2 =	vsub.f32 v35, v27;
	vm2 =	veq.f32 v20, $0.0e+00;
	vm3 =	veq.f32 v8, $0.0e+00;
	v10 =	vld [tilespmem:s28+$0xE020]  }
0xc9: {  	v3 =	vsub.f32 v22, v20;
	v4 =	vsub.f32 v32, v8;
	vm4 =	veq.f32 v18, $0.0e+00;
	v14 =	vld [tilespmem:s28+$0xE010]  }
.Ltmp1:
0xca: {  	v5 =	vsub.f32 v38, v18;
	vm5 =	veq.f32 v19, $0.0e+00;
	vm6 =	veq.f32 v7, $0.0e+00;
	v15 =	vld [tilespmem:s28+$0xE000];
	(pc) =	sbr.rel @p1 .LBB2_5-.Ltmp1, $4  }
0xcb: {  	v6 =	vsub.f32 v29, v19;
	v7 =	vsub.f32 v16, v7;
	vm7 =	veq.f32 v30, $0.0e+00;
	v17 =	vld [tilespmem:s25+$0x7000]  }
0xcc: {  	v8 =	vsub.f32 v28, v30;
	vm8 =	veq.f32 v31, $0.0e+00;
	vm9 =	veq.f32 v34, $0.0e+00  }
0xcd: {  	v13 =	vsub.f32 v13, v31;
	v16 =	vsub.f32 v26, v34;
	vm10 =	veq.f32 v36, $0.0e+00  }
0xce: {  	s24 =	sadd.s32 $0x100, s24;
	v22 =	vsub.f32 v33, v36;
	vm11 =	veq.f32 v10, $0.0e+00;
	vm12 =	veq.f32 v14, $0.0e+00  }
0xcf: {  	vm13 =	veq.f32 v15, $0.0e+00;
	v14 =	vsub.f32 v23, v14;
	v10 =	vsub.f32 v21, v10  }
0xd0: {  	v61 =	vsel vm2, $0x3F800000, v0;
	v18 =	vsel vm1, $0x3F800000, v0;
	v19 =	vsel vm5, $0x3F800000, v0  }
0xd1: {  	v20 =	vsel vm4, $0x3F800000, v0;
	v62 =	vsel vm3, $0x3F800000, v0;
	v63 =	vsel vm7, $0x3F800000, v0  }
0xd2: {  	v24 =	vsel vm6, $0x3F800000, v0;
	v25 =	vmul.f32 v1, v1;
	v26 =	vsel vm8, $0x3F800000, v0  }
0xd3: {  	v27 =	vmul.f32 v3, v3;
	v28 =	vmul.f32 v2, v2;
	v29 =	vsel vm9, $0x3F800000, v0  }
0xd4: {  	v30 =	vmul.f32 v5, v5;
	v31 =	vmul.f32 v4, v4;
	v32 =	vsel vm10, $0x3F800000, v0  }
0xd5: {  	v33 =	vmul.f32 v7, v7;
	v34 =	vmul.f32 v6, v6;
	v35 =	vsel vm11, $0x3F800000, v0  }
0xd6: {  	v36 =	vmul.f32 v13, v13;
	v37 =	vmul.f32 v8, v8;
	v60 =	vsub.f32 v17, v15  }
0xd7: {  	v39 =	vsel vm12, $0x3F800000, v0;
	v40 =	vmul.f32 v16, v16;
	v41 =	vsel vm13, $0x3F800000, v0  }
0xd8: {  	v43 =	vmul.f32 v22, v22;
	v38 =	vmul.f32 v60, v60;
	v15 =	vand.u32 $0x7FFFFFFF, v60  }
0xd9: {  	v42 =	vmul.f32 v10, v10;
	v44 =	vmul.f32 v14, v14;
	v15 =	vsel vm13, $0x0, v15  }
0xda: {  	v14 =	vand.u32 $0x7FFFFFFF, v14;
	v38 =	vnsel vm13, $0x0, v38;
	v11 =	vadd.f32 v15, v11  }
0xdb: {  	v12 =	vadd.f32 v41, v12;
	v14 =	vsel vm12, $0x0, v14;
	v9 =	vadd.f32 v38, v9  }
0xdc: {  	v10 =	vand.u32 $0x7FFFFFFF, v10;
	v45 =	vnsel vm12, $0x0, v44;
	v11 =	vadd.f32 v14, v11  }
0xdd: {  	v10 =	vsel vm11, $0x0, v10;
	v12 =	vadd.f32 v39, v12;
	v9 =	vadd.f32 v45, v9  }
0xde: {  	v47 =	vand.u32 $0x7FFFFFFF, v22;
	v46 =	vnsel vm11, $0x0, v42;
	v10 =	vadd.f32 v10, v11  }
0xdf: {  	v49 =	vsel vm10, $0x0, v47;
	v11 =	vadd.f32 v35, v12;
	v9 =	vadd.f32 v46, v9  }
0xe0: {  	v50 =	vand.u32 $0x7FFFFFFF, v16;
	v48 =	vnsel vm10, $0x0, v43;
	v10 =	vadd.f32 v49, v10  }
0xe1: {  	v52 =	vsel vm9, $0x0, v50;
	v11 =	vadd.f32 v32, v11;
	v9 =	vadd.f32 v48, v9  }
0xe2: {  	v53 =	vand.u32 $0x7FFFFFFF, v13;
	v51 =	vnsel vm9, $0x0, v40;
	v10 =	vadd.f32 v52, v10  }
0xe3: {  	v55 =	vsel vm8, $0x0, v53;
	v11 =	vadd.f32 v29, v11;
	v9 =	vadd.f32 v51, v9  }
0xe4: {  	v8 =	vand.u32 $0x7FFFFFFF, v8;
	v54 =	vnsel vm8, $0x0, v36;
	v10 =	vadd.f32 v55, v10  }
0xe5: {  	v8 =	vsel vm7, $0x0, v8;
	v11 =	vadd.f32 v26, v11;
	v9 =	vadd.f32 v54, v9  }
0xe6: {  	v7 =	vand.u32 $0x7FFFFFFF, v7;
	v56 =	vnsel vm7, $0x0, v37;
	v8 =	vadd.f32 v8, v10  }
0xe7: {  	v7 =	vsel vm6, $0x0, v7;
	v10 =	vadd.f32 v63, v11;
	v9 =	vadd.f32 v56, v9  }
0xe8: {  	v6 =	vand.u32 $0x7FFFFFFF, v6;
	v11 =	vnsel vm6, $0x0, v33;
	v7 =	vadd.f32 v7, v8  }
0xe9: {  	v6 =	vsel vm5, $0x0, v6;
	v8 =	vadd.f32 v24, v10;
	v9 =	vadd.f32 v11, v9  }
0xea: {  	v57 =	vand.u32 $0x7FFFFFFF, v5;
	v10 =	vnsel vm5, $0x0, v34;
	v6 =	vadd.f32 v6, v7  }
0xeb: {  	v5 =	vsel vm4, $0x0, v57;
	v7 =	vadd.f32 v19, v8;
	v9 =	vadd.f32 v10, v9  }
0xec: {  	v58 =	vand.u32 $0x7FFFFFFF, v4;
	v8 =	vnsel vm4, $0x0, v30;
	v5 =	vadd.f32 v5, v6  }
0xed: {  	v4 =	vsel vm3, $0x0, v58;
	v6 =	vadd.f32 v20, v7;
	v8 =	vadd.f32 v8, v9  }
0xee: {  	v3 =	vand.u32 $0x7FFFFFFF, v3;
	v7 =	vnsel vm3, $0x0, v31;
	v4 =	vadd.f32 v4, v5  }
0xef: {  	v3 =	vsel vm2, $0x0, v3;
	v59 =	vadd.f32 v62, v6;
	v7 =	vadd.f32 v7, v8  }
0xf0: {  	v2 =	vand.u32 $0x7FFFFFFF, v2;
	v6 =	vnsel vm2, $0x0, v27;
	v3 =	vadd.f32 v3, v4  }
.Ltmp2:
0xf1: {  	v2 =	vsel vm1, $0x0, v2;
	v60 =	vadd.f32 v61, v59;
	v6 =	vadd.f32 v6, v7;
	(pc) =	sbr.rel @p0 .LBB2_2-.Ltmp2, $4  }
0xf2: {  	v1 =	vand.u32 $0x7FFFFFFF, v1;
	v61 =	vnsel vm1, $0x0, v28;
	v2 =	vadd.f32 v2, v3  }
0xf3: {  	v1 =	vsel vm0, $0x0, v1;
	v3 =	vadd.f32 v18, v60;
	v5 =	vadd.f32 v61, v6  }
0xf4: {  	v63 =	vsel vm0, $0x3F800000, v0;
	v62 =	vnsel vm0, $0x0, v25;
	v9 =	vadd.f32 v1, v2  }
0xf5: {  	p1 =	por $0x0, $0x0;
	v8 =	vadd.f32 v63, v3;
	v10 =	vadd.f32 v62, v5  }
0xf6: {  	[tilespmem:$0x1C080] =	vst v9;
	s22 =	sadd.s32 $0x1, s22  }
0xf7: {  	[tilespmem:$0x1C000] =	vst v10;
	p0 =	sne.s32 s22, s12  }
.Ltmp3:
0xf8: {  	[tilespmem:$0x1C100] =	vst v8;
	(pc) =	sbr.rel @p0 .LBB2_1-.Ltmp3, $4  }
0xf9: {  	[hbm4b:s11+s2] =	stream.linear.scatter [tilespmem:s20], [sflag:$0x5], $0x180, $0x38;
	[tilespmem:$0x1C200] =	vst v63  }
0xfa: {  	_ =	swait.ge [sflag:s21], $0x180  }
0xfb: {  	[sflag:s21] =	ssyncset.done $0x0  }
0xfc: {  	[sflag:s21] =	ssyncadd.s32 $0xFFFFFE80  }
0xfd: {  	_ =	sfence.sel $0x180000  }
0xfe: {  	[bflag:$0x0] =	sbarrier.arrive $0xFFFF  }
0xff: {  	p0 =	sne.s32 s0, $0x0;
	_ =	strace $0x90000047  }
0x100: {  	s0 =	sadd.s32 @!p0 $0x100000, s1;
	[bflag:$0x2] =	sbarrier.arrive $0xFFFF  }
0x101: {  	[sflag:s0] =	ssyncadd.tile.s32 @!p0 $0x1;
	_ =	shalt  }
.Lfunc_end2:
_tile_overlayer_lowered:
.L_overlay_start_2:
0x102: {  	(tag) =	ssettag $0x2  }
0x103: {  	s0 =	rddreg [dreg:$0x0];
	s2 =	stileid.u32  }
0x104: {  	s1 =	rddreg [dreg:$0x1];
	p0 =	sne.s32 s2, $0x0  }
0x105: {  	s3 =	rddreg [dreg:$0x2];
	[bflag:$0x3] =	sbarrier.arrive $0xFFFF;
	s2 =	simm.s32 @!p0 $0x1C05  }
0x106: {  	[timem:s3], [sflag:s2] =	dma.local @!p0 [hbm:s0], s1  }
0x107: {  	s0 =	simm.s32 @!p0 $0x5  }
0x108: {  	_ =	swait.ge @!p0 [sflag:s0], s1  }
0x109: {  	s1 =	ssub.s32 @!p0 $0x0, s1;
	[sflag:s0] =	ssyncset.done @!p0 $0x0  }
0x10a: {  	[sflag:s0] =	ssyncadd.s32 @!p0 s1  }
0x10b: {  	[bflag:$0x3] =	sbarrier.arrive $0xFFFF  }
0x10c: {  	_ =	shalt  }

</sc_bundles>
